<compile_context>
chip_gen: v7x
topology: tpu7x:2x2x1
jax: 0.10.2.dev20260603
libtpu: 0.0.44.dev20260713+nightly
codegen_flags: <defaults>
</compile_context>

<pallas_src>
import functools

import jax
import jax.numpy as jnp
from jax import lax
from jax.experimental import pallas as pl
from jax.experimental.pallas import tpu as pltpu
from jax.experimental.pallas import tpu_sc as plsc

VOCAB = 1000000
EMB = 64
B = 16384
L = 50
N = B * L
EP = 128
LP = 56

_info = plsc.get_sparse_core_info()
NC, NS = _info.num_cores, _info.num_subcores
NW = NC * NS
PER_W = N // NW
B_PER_W = B // NW
CB = 4
CHUNK = CB * L
N_CHUNKS = B_PER_W // CB
NBUF = 4

_mesh = plsc.VectorSubcoreMesh(core_axis_name="c", subcore_axis_name="s")


@functools.partial(
    pl.kernel,
    mesh=_mesh,
    out_type=jax.ShapeDtypeStruct((B, LP, EP), jnp.float32),
    scratch_types=[
        pltpu.VMEM((PER_W,), jnp.int32),
        pltpu.VMEM((NBUF, CHUNK, EMB), jnp.float32),
    ]
    + [pltpu.SemaphoreType.DMA] * (2 * NBUF),
    compiler_params=pltpu.CompilerParams(use_tc_tiling_on_sc=False),
)
def _gather_kernel(idx_hbm, table_hbm, out_hbm, idx_v, rows_v, *sems):
    wid = lax.axis_index("s") * NC + lax.axis_index("c")
    base = wid * PER_W
    b0 = wid * B_PER_W
    sg = sems[:NBUF]
    sw = sems[NBUF:]

    pltpu.sync_copy(idx_hbm.at[pl.ds(base, PER_W)], idx_v)

    def gather_start(g, b):
        pltpu.async_copy(
            table_hbm.at[idx_v.at[pl.ds(g * CHUNK, CHUNK)]], rows_v.at[b], sg[b]
        )

    def gather_wait(g, b):
        pltpu.make_async_copy(
            table_hbm.at[idx_v.at[pl.ds(g * CHUNK, CHUNK)]], rows_v.at[b], sg[b]
        ).wait()

    def wb_start(g, b):
        for k in range(CB):
            pltpu.async_copy(
                rows_v.at[b].at[pl.ds(k * L, L)],
                out_hbm.at[b0 + g * CB + k, pl.ds(0, L), pl.ds(0, EMB)],
                sw[b],
            )

    def wb_wait(g, b):
        for k in range(CB):
            pltpu.make_async_copy(
                rows_v.at[b].at[pl.ds(k * L, L)],
                out_hbm.at[b0 + g * CB + k, pl.ds(0, L), pl.ds(0, EMB)],
                sw[b],
            ).wait()

    gather_start(0, 0)
    gather_start(1, 1)

    @pl.loop(0, N_CHUNKS, step=NBUF)
    def _body(g):
        for j in range(NBUF):
            c = g + j
            b = j

            gather_wait(c, b)
            wb_start(c, b)

            @pl.when(c + 2 < N_CHUNKS)
            def _(c=c, b=b):
                @pl.when(c >= 2)
                def _():
                    wb_wait(c - 2, (b + 2) % NBUF)

                gather_start(c + 2, (b + 2) % NBUF)

    for c in range(N_CHUNKS - 4, N_CHUNKS):
        wb_wait(c, c % NBUF)


def kernel(mask, weight):
    flat = mask.reshape(N)
    out = _gather_kernel(flat, weight)
    return out[:, :L, :EMB]

# --- scband reference (transcript-rebuilt; emitter-appended) ---
"""Pipeline reference for scband-embedding-1778116460876 (READ-ONLY COPY).

The authoritative reference and input builder live on the scoring server;
editing this copy changes nothing except your own understanding.
"""

import jax, jax.numpy as jnp
import numpy as np

VOCAB = 1000000
EMB = 64
B = 16384
L = 50

def setup_inputs(seed: int = 0) -> dict:
    key = jax.random.key(seed)
    k1, k2 = jax.random.split(key)
    mask = jax.random.randint(k1, (B, L), 0, VOCAB, dtype=jnp.int32)
    weight = jax.random.normal(k2, (VOCAB, EMB), dtype=jnp.float32)
    return {"mask": mask, "weight": weight}

def reference(mask, weight):
    # mask is integer -> embedding lookup path of Embedding_.forward
    return jnp.take(weight, mask, axis=0)

if __name__ == "__main__":
    import jax
    _d = setup_inputs()
    print(jax.jit(kernel)(*tuple(_d.values())))

</pallas_src>

<mosaic_0001>
#map = affine_map<(d0, d1) -> (0)>
#map1 = affine_map<(d0, d1) -> (0, 0)>
#map2 = affine_map<(d0, d1) -> (0, 0, 0)>
module attributes {stable_mosaic.version = 14 : i64} {
  func.func @_gather_kernel(%arg0: i32, %arg1: i32, %arg2: memref<819200xi32, #tpu.memory_space<hbm>>, %arg3: memref<1000000x64xf32, #tpu.memory_space<hbm>>, %arg4: memref<16384x56x128xf32, #tpu.memory_space<hbm>>, %arg5: memref<25600xi32, #tpu.memory_space<vmem>>, %arg6: memref<4x200x64xf32, #tpu.memory_space<vmem>>, %arg7: memref<!tpu.dma_semaphore, #tpu.memory_space<semaphore_mem>>, %arg8: memref<!tpu.dma_semaphore, #tpu.memory_space<semaphore_mem>>, %arg9: memref<!tpu.dma_semaphore, #tpu.memory_space<semaphore_mem>>, %arg10: memref<!tpu.dma_semaphore, #tpu.memory_space<semaphore_mem>>, %arg11: memref<!tpu.dma_semaphore, #tpu.memory_space<semaphore_mem>>, %arg12: memref<!tpu.dma_semaphore, #tpu.memory_space<semaphore_mem>>, %arg13: memref<!tpu.dma_semaphore, #tpu.memory_space<semaphore_mem>>, %arg14: memref<!tpu.dma_semaphore, #tpu.memory_space<semaphore_mem>>) attributes {dimension_semantics = [#tpu.dimension_semantics<core_parallel>, #tpu.dimension_semantics<subcore_parallel>], iteration_bounds = array<i64: 2, 16>, scalar_prefetch = 0 : i64, scratch_operands = 10 : i64, tpu.core_type = #tpu.core_type<sc_vector_subcore>, window_params = [{transform_indices = #map}, {transform_indices = #map1}, {transform_indices = #map2}]} {
    %mul3A = arith.constant 2 : i32
    %mul3A_0 = arith.muli %arg1, %mul3A : i32
    %add3A = arith.addi %mul3A_0, %arg0 : i32
    %mul3A_1 = arith.constant 25600 : i32
    %mul3A_2 = arith.muli %add3A, %mul3A_1 : i32
    %mul3A_3 = arith.constant 512 : i32
    %mul3A_4 = arith.muli %add3A, %mul3A_3 : i32
    "tpu.region"() ({
      %run_scoped3A = tpu.sem_alloc : memref<!tpu.dma_semaphore, #tpu.memory_space<semaphore_mem>>
      %dma_start3A_459 = tpu.memref_slice %arg2[%mul3A_2] : memref<819200xi32, #tpu.memory_space<hbm>> -> memref<25600xi32, #tpu.memory_space<hbm>>
      %dma_start3A_460 = tpu.memref_slice %arg2[%mul3A_2] : memref<819200xi32, #tpu.memory_space<hbm>> -> memref<25600xi32, #tpu.memory_space<hbm>>
      tpu.enqueue_dma source(%dma_start3A_460 : memref<25600xi32, #tpu.memory_space<hbm>>) target(%arg5 : memref<25600xi32, #tpu.memory_space<vmem>>) target_semaphore(%run_scoped3A : memref<!tpu.dma_semaphore, #tpu.memory_space<semaphore_mem>>)
      %dma_wait3A_461 = tpu.memref_slice %arg2[%mul3A_2] : memref<819200xi32, #tpu.memory_space<hbm>> -> memref<25600xi32, #tpu.memory_space<hbm>>
      %dma_wait3A_462 = tpu.memref_slice %arg2[%mul3A_2] : memref<819200xi32, #tpu.memory_space<hbm>> -> memref<25600xi32, #tpu.memory_space<hbm>>
      tpu.wait_dma2 semaphore(%run_scoped3A : memref<!tpu.dma_semaphore, #tpu.memory_space<semaphore_mem>>) src(%dma_wait3A_462 : memref<25600xi32, #tpu.memory_space<hbm>>) dst(%arg5 : memref<25600xi32, #tpu.memory_space<vmem>>)
      tpu.yield
    }) : () -> ()
    %dma_start3A = arith.constant 0 : i32
    %dma_start3A_5 = arith.constant 0 : i32
    %dma_start3A_6 = arith.constant 0 : i32
    %dma_start3A_7 = tpu.memref_slice %arg6[%dma_start3A, %dma_start3A_5, %dma_start3A_6] : memref<4x200x64xf32, #tpu.memory_space<vmem>> -> memref<1x200x64xf32, #tpu.memory_space<vmem>>
    %dma_start3A_8 = tpu.memref_squeeze %dma_start3A_7 : memref<1x200x64xf32, #tpu.memory_space<vmem>> -> memref<200x64xf32, #tpu.memory_space<vmem>>
    %dma_start3A_9 = arith.constant 0 : i32
    %dma_start3A_10 = tpu.memref_slice %arg5[%dma_start3A_9] : memref<25600xi32, #tpu.memory_space<vmem>> -> memref<200xi32, #tpu.memory_space<vmem>>
    %dma_start3A_11 = arith.constant 0 : i32
    %dma_start3A_12 = arith.constant 0 : i32
    %dma_start3A_13 = tpu.memref_slice %arg3[%dma_start3A_11, %dma_start3A_12] : memref<1000000x64xf32, #tpu.memory_space<hbm>> -> memref<1000000x64xf32, #tpu.memory_space<hbm>>
    tpu.enqueue_indirect_dma source(%dma_start3A_13 : memref<1000000x64xf32, #tpu.memory_space<hbm>>) target(%dma_start3A_8 : memref<200x64xf32, #tpu.memory_space<vmem>>) offsets(%dma_start3A_10 : memref<200xi32, #tpu.memory_space<vmem>>) semaphore(%arg7 : memref<!tpu.dma_semaphore, #tpu.memory_space<semaphore_mem>>)
    %dma_start3A_14 = arith.constant 1 : i32
    %dma_start3A_15 = arith.constant 0 : i32
    %dma_start3A_16 = arith.constant 0 : i32
    %dma_start3A_17 = tpu.memref_slice %arg6[%dma_start3A_14, %dma_start3A_15, %dma_start3A_16] : memref<4x200x64xf32, #tpu.memory_space<vmem>> -> memref<1x200x64xf32, #tpu.memory_space<vmem>>
    %dma_start3A_18 = tpu.memref_squeeze %dma_start3A_17 : memref<1x200x64xf32, #tpu.memory_space<vmem>> -> memref<200x64xf32, #tpu.memory_space<vmem>>
    %dma_start3A_19 = arith.constant 200 : i32
    %dma_start3A_20 = tpu.memref_slice %arg5[%dma_start3A_19] : memref<25600xi32, #tpu.memory_space<vmem>> -> memref<200xi32, #tpu.memory_space<vmem>>
    %dma_start3A_21 = arith.constant 0 : i32
    %dma_start3A_22 = arith.constant 0 : i32
    %dma_start3A_23 = tpu.memref_slice %arg3[%dma_start3A_21, %dma_start3A_22] : memref<1000000x64xf32, #tpu.memory_space<hbm>> -> memref<1000000x64xf32, #tpu.memory_space<hbm>>
    tpu.enqueue_indirect_dma source(%dma_start3A_23 : memref<1000000x64xf32, #tpu.memory_space<hbm>>) target(%dma_start3A_18 : memref<200x64xf32, #tpu.memory_space<vmem>>) offsets(%dma_start3A_20 : memref<200xi32, #tpu.memory_space<vmem>>) semaphore(%arg8 : memref<!tpu.dma_semaphore, #tpu.memory_space<semaphore_mem>>)
    %scan3A = arith.constant 0 : i32
    %scan3A_24 = arith.constant 32 : i32
    %scan3A_25 = arith.addi %scan3A, %scan3A_24 : i32
    %scan3A_26 = arith.constant 1 : i32
    scf.for %scan3A_459 = %scan3A to %scan3A_25 step %scan3A_26  : i32 {
      %mul3A_460 = arith.constant 4 : i32
      %mul3A_461 = arith.muli %scan3A_459, %mul3A_460 : i32
      %add3A_462 = arith.constant 0 : i32
      %add3A_463 = arith.addi %add3A_462, %mul3A_461 : i32
      %add3A_464 = arith.constant 0 : i32
      %add3A_465 = arith.addi %add3A_463, %add3A_464 : i32
      %mul3A_466 = arith.constant 200 : i32
      %mul3A_467 = arith.muli %add3A_465, %mul3A_466 : i32
      %dma_wait3A_468 = arith.constant 0 : i32
      %dma_wait3A_469 = arith.constant 0 : i32
      %dma_wait3A_470 = arith.constant 0 : i32
      %dma_wait3A_471 = tpu.memref_slice %arg6[%dma_wait3A_468, %dma_wait3A_469, %dma_wait3A_470] : memref<4x200x64xf32, #tpu.memory_space<vmem>> -> memref<1x200x64xf32, #tpu.memory_space<vmem>>
      %dma_wait3A_472 = tpu.memref_squeeze %dma_wait3A_471 : memref<1x200x64xf32, #tpu.memory_space<vmem>> -> memref<200x64xf32, #tpu.memory_space<vmem>>
      %dma_wait3A_473 = tpu.memref_slice %arg5[%mul3A_467] : memref<25600xi32, #tpu.memory_space<vmem>> -> memref<200xi32, #tpu.memory_space<vmem>>
      %dma_wait3A_474 = arith.constant 0 : i32
      %dma_wait3A_475 = arith.constant 0 : i32
      %dma_wait3A_476 = tpu.memref_slice %arg3[%dma_wait3A_474, %dma_wait3A_475] : memref<1000000x64xf32, #tpu.memory_space<hbm>> -> memref<1000000x64xf32, #tpu.memory_space<hbm>>
      tpu.wait_indirect_dma semaphore(%arg7 : memref<!tpu.dma_semaphore, #tpu.memory_space<semaphore_mem>>) src(%dma_wait3A_476 : memref<1000000x64xf32, #tpu.memory_space<hbm>>) dst(%dma_wait3A_472 : memref<200x64xf32, #tpu.memory_space<vmem>>)
      %mul3A_477 = arith.constant 4 : i32
      %mul3A_478 = arith.muli %add3A_465, %mul3A_477 : i32
      %add3A_479 = arith.addi %mul3A_4, %mul3A_478 : i32
      %add3A_480 = arith.constant 0 : i32
      %add3A_481 = arith.addi %add3A_479, %add3A_480 : i32
      %dma_start3A_482 = arith.constant 0 : i32
      %dma_start3A_483 = arith.constant 0 : i32
      %dma_start3A_484 = arith.constant 0 : i32
      %dma_start3A_485 = tpu.memref_slice %arg6[%dma_start3A_482, %dma_start3A_483, %dma_start3A_484] : memref<4x200x64xf32, #tpu.memory_space<vmem>> -> memref<1x200x64xf32, #tpu.memory_space<vmem>>
      %dma_start3A_486 = tpu.memref_squeeze %dma_start3A_485 : memref<1x200x64xf32, #tpu.memory_space<vmem>> -> memref<200x64xf32, #tpu.memory_space<vmem>>
      %dma_start3A_487 = arith.constant 0 : i32
      %dma_start3A_488 = arith.constant 0 : i32
      %dma_start3A_489 = tpu.memref_slice %dma_start3A_486[%dma_start3A_487, %dma_start3A_488] : memref<200x64xf32, #tpu.memory_space<vmem>> -> memref<50x64xf32, #tpu.memory_space<vmem>>
      %dma_start3A_490 = arith.constant 0 : i32
      %dma_start3A_491 = arith.constant 0 : i32
      %dma_start3A_492 = tpu.memref_slice %arg4[%add3A_481, %dma_start3A_490, %dma_start3A_491] : memref<16384x56x128xf32, #tpu.memory_space<hbm>> -> memref<1x50x64xf32, #tpu.memory_space<hbm>>
      %dma_start3A_493 = tpu.memref_squeeze %dma_start3A_492 : memref<1x50x64xf32, #tpu.memory_space<hbm>> -> memref<50x64xf32, #tpu.memory_space<hbm>>
      %dma_start3A_494 = arith.constant 0 : i32
      %dma_start3A_495 = arith.constant 0 : i32
      %dma_start3A_496 = tpu.memref_slice %arg4[%add3A_481, %dma_start3A_494, %dma_start3A_495] : memref<16384x56x128xf32, #tpu.memory_space<hbm>> -> memref<1x50x64xf32, #tpu.memory_space<hbm>>
      %dma_start3A_497 = tpu.memref_squeeze %dma_start3A_496 : memref<1x50x64xf32, #tpu.memory_space<hbm>> -> memref<50x64xf32, #tpu.memory_space<hbm>>
      %dma_start3A_498 = arith.constant 0 : i32
      %dma_start3A_499 = arith.constant 0 : i32
      %dma_start3A_500 = tpu.memref_slice %arg6[%dma_start3A_482, %dma_start3A_498, %dma_start3A_499] : memref<4x200x64xf32, #tpu.memory_space<vmem>> -> memref<1x200x64xf32, #tpu.memory_space<vmem>>
      %dma_start3A_501 = tpu.memref_squeeze %dma_start3A_500 : memref<1x200x64xf32, #tpu.memory_space<vmem>> -> memref<200x64xf32, #tpu.memory_space<vmem>>
      %dma_start3A_502 = arith.constant 0 : i32
      %dma_start3A_503 = arith.constant 0 : i32
      %dma_start3A_504 = tpu.memref_slice %dma_start3A_501[%dma_start3A_502, %dma_start3A_503] : memref<200x64xf32, #tpu.memory_space<vmem>> -> memref<50x64xf32, #tpu.memory_space<vmem>>
      tpu.enqueue_dma source(%dma_start3A_504 : memref<50x64xf32, #tpu.memory_space<vmem>>) target(%dma_start3A_497 : memref<50x64xf32, #tpu.memory_space<hbm>>) target_semaphore(%arg11 : memref<!tpu.dma_semaphore, #tpu.memory_space<semaphore_mem>>)
      %mul3A_505 = arith.constant 4 : i32
      %mul3A_506 = arith.muli %add3A_465, %mul3A_505 : i32
      %add3A_507 = arith.addi %mul3A_4, %mul3A_506 : i32
      %add3A_508 = arith.constant 1 : i32
      %add3A_509 = arith.addi %add3A_507, %add3A_508 : i32
      %dma_start3A_510 = arith.constant 0 : i32
      %dma_start3A_511 = arith.constant 0 : i32
      %dma_start3A_512 = arith.constant 0 : i32
      %dma_start3A_513 = tpu.memref_slice %arg6[%dma_start3A_510, %dma_start3A_511, %dma_start3A_512] : memref<4x200x64xf32, #tpu.memory_space<vmem>> -> memref<1x200x64xf32, #tpu.memory_space<vmem>>
      %dma_start3A_514 = tpu.memref_squeeze %dma_start3A_513 : memref<1x200x64xf32, #tpu.memory_space<vmem>> -> memref<200x64xf32, #tpu.memory_space<vmem>>
      %dma_start3A_515 = arith.constant 50 : i32
      %dma_start3A_516 = arith.constant 0 : i32
      %dma_start3A_517 = tpu.memref_slice %dma_start3A_514[%dma_start3A_515, %dma_start3A_516] : memref<200x64xf32, #tpu.memory_space<vmem>> -> memref<50x64xf32, #tpu.memory_space<vmem>>
      %dma_start3A_518 = arith.constant 0 : i32
      %dma_start3A_519 = arith.constant 0 : i32
      %dma_start3A_520 = tpu.memref_slice %arg4[%add3A_509, %dma_start3A_518, %dma_start3A_519] : memref<16384x56x128xf32, #tpu.memory_space<hbm>> -> memref<1x50x64xf32, #tpu.memory_space<hbm>>
      %dma_start3A_521 = tpu.memref_squeeze %dma_start3A_520 : memref<1x50x64xf32, #tpu.memory_space<hbm>> -> memref<50x64xf32, #tpu.memory_space<hbm>>
      %dma_start3A_522 = arith.constant 0 : i32
      %dma_start3A_523 = arith.constant 0 : i32
      %dma_start3A_524 = tpu.memref_slice %arg4[%add3A_509, %dma_start3A_522, %dma_start3A_523] : memref<16384x56x128xf32, #tpu.memory_space<hbm>> -> memref<1x50x64xf32, #tpu.memory_space<hbm>>
      %dma_start3A_525 = tpu.memref_squeeze %dma_start3A_524 : memref<1x50x64xf32, #tpu.memory_space<hbm>> -> memref<50x64xf32, #tpu.memory_space<hbm>>
      %dma_start3A_526 = arith.constant 0 : i32
      %dma_start3A_527 = arith.constant 0 : i32
      %dma_start3A_528 = tpu.memref_slice %arg6[%dma_start3A_510, %dma_start3A_526, %dma_start3A_527] : memref<4x200x64xf32, #tpu.memory_space<vmem>> -> memref<1x200x64xf32, #tpu.memory_space<vmem>>
      %dma_start3A_529 = tpu.memref_squeeze %dma_start3A_528 : memref<1x200x64xf32, #tpu.memory_space<vmem>> -> memref<200x64xf32, #tpu.memory_space<vmem>>
      %dma_start3A_530 = arith.constant 50 : i32
      %dma_start3A_531 = arith.constant 0 : i32
      %dma_start3A_532 = tpu.memref_slice %dma_start3A_529[%dma_start3A_530, %dma_start3A_531] : memref<200x64xf32, #tpu.memory_space<vmem>> -> memref<50x64xf32, #tpu.memory_space<vmem>>
      tpu.enqueue_dma source(%dma_start3A_532 : memref<50x64xf32, #tpu.memory_space<vmem>>) target(%dma_start3A_525 : memref<50x64xf32, #tpu.memory_space<hbm>>) target_semaphore(%arg11 : memref<!tpu.dma_semaphore, #tpu.memory_space<semaphore_mem>>)
      %mul3A_533 = arith.constant 4 : i32
      %mul3A_534 = arith.muli %add3A_465, %mul3A_533 : i32
      %add3A_535 = arith.addi %mul3A_4, %mul3A_534 : i32
      %add3A_536 = arith.constant 2 : i32
      %add3A_537 = arith.addi %add3A_535, %add3A_536 : i32
      %dma_start3A_538 = arith.constant 0 : i32
      %dma_start3A_539 = arith.constant 0 : i32
      %dma_start3A_540 = arith.constant 0 : i32
      %dma_start3A_541 = tpu.memref_slice %arg6[%dma_start3A_538, %dma_start3A_539, %dma_start3A_540] : memref<4x200x64xf32, #tpu.memory_space<vmem>> -> memref<1x200x64xf32, #tpu.memory_space<vmem>>
      %dma_start3A_542 = tpu.memref_squeeze %dma_start3A_541 : memref<1x200x64xf32, #tpu.memory_space<vmem>> -> memref<200x64xf32, #tpu.memory_space<vmem>>
      %dma_start3A_543 = arith.constant 100 : i32
      %dma_start3A_544 = arith.constant 0 : i32
      %dma_start3A_545 = tpu.memref_slice %dma_start3A_542[%dma_start3A_543, %dma_start3A_544] : memref<200x64xf32, #tpu.memory_space<vmem>> -> memref<50x64xf32, #tpu.memory_space<vmem>>
      %dma_start3A_546 = arith.constant 0 : i32
      %dma_start3A_547 = arith.constant 0 : i32
      %dma_start3A_548 = tpu.memref_slice %arg4[%add3A_537, %dma_start3A_546, %dma_start3A_547] : memref<16384x56x128xf32, #tpu.memory_space<hbm>> -> memref<1x50x64xf32, #tpu.memory_space<hbm>>
      %dma_start3A_549 = tpu.memref_squeeze %dma_start3A_548 : memref<1x50x64xf32, #tpu.memory_space<hbm>> -> memref<50x64xf32, #tpu.memory_space<hbm>>
      %dma_start3A_550 = arith.constant 0 : i32
      %dma_start3A_551 = arith.constant 0 : i32
      %dma_start3A_552 = tpu.memref_slice %arg4[%add3A_537, %dma_start3A_550, %dma_start3A_551] : memref<16384x56x128xf32, #tpu.memory_space<hbm>> -> memref<1x50x64xf32, #tpu.memory_space<hbm>>
      %dma_start3A_553 = tpu.memref_squeeze %dma_start3A_552 : memref<1x50x64xf32, #tpu.memory_space<hbm>> -> memref<50x64xf32, #tpu.memory_space<hbm>>
      %dma_start3A_554 = arith.constant 0 : i32
      %dma_start3A_555 = arith.constant 0 : i32
      %dma_start3A_556 = tpu.memref_slice %arg6[%dma_start3A_538, %dma_start3A_554, %dma_start3A_555] : memref<4x200x64xf32, #tpu.memory_space<vmem>> -> memref<1x200x64xf32, #tpu.memory_space<vmem>>
      %dma_start3A_557 = tpu.memref_squeeze %dma_start3A_556 : memref<1x200x64xf32, #tpu.memory_space<vmem>> -> memref<200x64xf32, #tpu.memory_space<vmem>>
      %dma_start3A_558 = arith.constant 100 : i32
      %dma_start3A_559 = arith.constant 0 : i32
      %dma_start3A_560 = tpu.memref_slice %dma_start3A_557[%dma_start3A_558, %dma_start3A_559] : memref<200x64xf32, #tpu.memory_space<vmem>> -> memref<50x64xf32, #tpu.memory_space<vmem>>
      tpu.enqueue_dma source(%dma_start3A_560 : memref<50x64xf32, #tpu.memory_space<vmem>>) target(%dma_start3A_553 : memref<50x64xf32, #tpu.memory_space<hbm>>) target_semaphore(%arg11 : memref<!tpu.dma_semaphore, #tpu.memory_space<semaphore_mem>>)
      %mul3A_561 = arith.constant 4 : i32
      %mul3A_562 = arith.muli %add3A_465, %mul3A_561 : i32
      %add3A_563 = arith.addi %mul3A_4, %mul3A_562 : i32
      %add3A_564 = arith.constant 3 : i32
      %add3A_565 = arith.addi %add3A_563, %add3A_564 : i32
      %dma_start3A_566 = arith.constant 0 : i32
      %dma_start3A_567 = arith.constant 0 : i32
      %dma_start3A_568 = arith.constant 0 : i32
      %dma_start3A_569 = tpu.memref_slice %arg6[%dma_start3A_566, %dma_start3A_567, %dma_start3A_568] : memref<4x200x64xf32, #tpu.memory_space<vmem>> -> memref<1x200x64xf32, #tpu.memory_space<vmem>>
      %dma_start3A_570 = tpu.memref_squeeze %dma_start3A_569 : memref<1x200x64xf32, #tpu.memory_space<vmem>> -> memref<200x64xf32, #tpu.memory_space<vmem>>
      %dma_start3A_571 = arith.constant 150 : i32
      %dma_start3A_572 = arith.constant 0 : i32
      %dma_start3A_573 = tpu.memref_slice %dma_start3A_570[%dma_start3A_571, %dma_start3A_572] : memref<200x64xf32, #tpu.memory_space<vmem>> -> memref<50x64xf32, #tpu.memory_space<vmem>>
      %dma_start3A_574 = arith.constant 0 : i32
      %dma_start3A_575 = arith.constant 0 : i32
      %dma_start3A_576 = tpu.memref_slice %arg4[%add3A_565, %dma_start3A_574, %dma_start3A_575] : memref<16384x56x128xf32, #tpu.memory_space<hbm>> -> memref<1x50x64xf32, #tpu.memory_space<hbm>>
      %dma_start3A_577 = tpu.memref_squeeze %dma_start3A_576 : memref<1x50x64xf32, #tpu.memory_space<hbm>> -> memref<50x64xf32, #tpu.memory_space<hbm>>
      %dma_start3A_578 = arith.constant 0 : i32
      %dma_start3A_579 = arith.constant 0 : i32
      %dma_start3A_580 = tpu.memref_slice %arg4[%add3A_565, %dma_start3A_578, %dma_start3A_579] : memref<16384x56x128xf32, #tpu.memory_space<hbm>> -> memref<1x50x64xf32, #tpu.memory_space<hbm>>
      %dma_start3A_581 = tpu.memref_squeeze %dma_start3A_580 : memref<1x50x64xf32, #tpu.memory_space<hbm>> -> memref<50x64xf32, #tpu.memory_space<hbm>>
      %dma_start3A_582 = arith.constant 0 : i32
      %dma_start3A_583 = arith.constant 0 : i32
      %dma_start3A_584 = tpu.memref_slice %arg6[%dma_start3A_566, %dma_start3A_582, %dma_start3A_583] : memref<4x200x64xf32, #tpu.memory_space<vmem>> -> memref<1x200x64xf32, #tpu.memory_space<vmem>>
      %dma_start3A_585 = tpu.memref_squeeze %dma_start3A_584 : memref<1x200x64xf32, #tpu.memory_space<vmem>> -> memref<200x64xf32, #tpu.memory_space<vmem>>
      %dma_start3A_586 = arith.constant 150 : i32
      %dma_start3A_587 = arith.constant 0 : i32
      %dma_start3A_588 = tpu.memref_slice %dma_start3A_585[%dma_start3A_586, %dma_start3A_587] : memref<200x64xf32, #tpu.memory_space<vmem>> -> memref<50x64xf32, #tpu.memory_space<vmem>>
      tpu.enqueue_dma source(%dma_start3A_588 : memref<50x64xf32, #tpu.memory_space<vmem>>) target(%dma_start3A_581 : memref<50x64xf32, #tpu.memory_space<hbm>>) target_semaphore(%arg11 : memref<!tpu.dma_semaphore, #tpu.memory_space<semaphore_mem>>)
      %add3A_589 = arith.constant 2 : i32
      %add3A_590 = arith.addi %add3A_465, %add3A_589 : i32
      %lt3A = arith.constant 128 : i32
      %lt3A_591 = arith.cmpi slt, %add3A_590, %lt3A : i32
      %convert_element_type3A = arith.extui %lt3A_591 : i1 to i32
      %cond3A = arith.constant 0 : i32
      %cond3A_592 = arith.cmpi ne, %convert_element_type3A, %cond3A : i32
      scf.if %cond3A_592 {
        %ge3A = arith.constant 2 : i32
        %ge3A_989 = arith.cmpi sge, %add3A_465, %ge3A : i32
        %convert_element_type3A_990 = arith.extui %ge3A_989 : i1 to i32
        %cond3A_991 = arith.constant 0 : i32
        %cond3A_992 = arith.cmpi ne, %convert_element_type3A_990, %cond3A_991 : i32
        scf.if %cond3A_992 {
          %sub3A = arith.constant 2 : i32
          %sub3A_1006 = arith.subi %add3A_465, %sub3A : i32
          %mul3A_1007 = arith.constant 4 : i32
          %mul3A_1008 = arith.muli %sub3A_1006, %mul3A_1007 : i32
          %add3A_1009 = arith.addi %mul3A_4, %mul3A_1008 : i32
          %add3A_1010 = arith.constant 0 : i32
          %add3A_1011 = arith.addi %add3A_1009, %add3A_1010 : i32
          %dma_wait3A_1012 = arith.constant 2 : i32
          %dma_wait3A_1013 = arith.constant 0 : i32
          %dma_wait3A_1014 = arith.constant 0 : i32
          %dma_wait3A_1015 = tpu.memref_slice %arg6[%dma_wait3A_1012, %dma_wait3A_1013, %dma_wait3A_1014] : memref<4x200x64xf32, #tpu.memory_space<vmem>> -> memref<1x200x64xf32, #tpu.memory_space<vmem>>
          %dma_wait3A_1016 = tpu.memref_squeeze %dma_wait3A_1015 : memref<1x200x64xf32, #tpu.memory_space<vmem>> -> memref<200x64xf32, #tpu.memory_space<vmem>>
          %dma_wait3A_1017 = arith.constant 0 : i32
          %dma_wait3A_1018 = arith.constant 0 : i32
          %dma_wait3A_1019 = tpu.memref_slice %dma_wait3A_1016[%dma_wait3A_1017, %dma_wait3A_1018] : memref<200x64xf32, #tpu.memory_space<vmem>> -> memref<50x64xf32, #tpu.memory_space<vmem>>
          %dma_wait3A_1020 = arith.constant 0 : i32
          %dma_wait3A_1021 = arith.constant 0 : i32
          %dma_wait3A_1022 = tpu.memref_slice %arg4[%add3A_1011, %dma_wait3A_1020, %dma_wait3A_1021] : memref<16384x56x128xf32, #tpu.memory_space<hbm>> -> memref<1x50x64xf32, #tpu.memory_space<hbm>>
          %dma_wait3A_1023 = tpu.memref_squeeze %dma_wait3A_1022 : memref<1x50x64xf32, #tpu.memory_space<hbm>> -> memref<50x64xf32, #tpu.memory_space<hbm>>
          %dma_wait3A_1024 = arith.constant 0 : i32
          %dma_wait3A_1025 = arith.constant 0 : i32
          %dma_wait3A_1026 = tpu.memref_slice %arg4[%add3A_1011, %dma_wait3A_1024, %dma_wait3A_1025] : memref<16384x56x128xf32, #tpu.memory_space<hbm>> -> memref<1x50x64xf32, #tpu.memory_space<hbm>>
          %dma_wait3A_1027 = tpu.memref_squeeze %dma_wait3A_1026 : memref<1x50x64xf32, #tpu.memory_space<hbm>> -> memref<50x64xf32, #tpu.memory_space<hbm>>
          %dma_wait3A_1028 = arith.constant 0 : i32
          %dma_wait3A_1029 = arith.constant 0 : i32
          %dma_wait3A_1030 = tpu.memref_slice %arg6[%dma_wait3A_1012, %dma_wait3A_1028, %dma_wait3A_1029] : memref<4x200x64xf32, #tpu.memory_space<vmem>> -> memref<1x200x64xf32, #tpu.memory_space<vmem>>
          %dma_wait3A_1031 = tpu.memref_squeeze %dma_wait3A_1030 : memref<1x200x64xf32, #tpu.memory_space<vmem>> -> memref<200x64xf32, #tpu.memory_space<vmem>>
          %dma_wait3A_1032 = arith.constant 0 : i32
          %dma_wait3A_1033 = arith.constant 0 : i32
          %dma_wait3A_1034 = tpu.memref_slice %dma_wait3A_1031[%dma_wait3A_1032, %dma_wait3A_1033] : memref<200x64xf32, #tpu.memory_space<vmem>> -> memref<50x64xf32, #tpu.memory_space<vmem>>
          tpu.wait_dma2 semaphore(%arg13 : memref<!tpu.dma_semaphore, #tpu.memory_space<semaphore_mem>>) src(%dma_wait3A_1034 : memref<50x64xf32, #tpu.memory_space<vmem>>) dst(%dma_wait3A_1027 : memref<50x64xf32, #tpu.memory_space<hbm>>)
          %mul3A_1035 = arith.constant 4 : i32
          %mul3A_1036 = arith.muli %sub3A_1006, %mul3A_1035 : i32
          %add3A_1037 = arith.addi %mul3A_4, %mul3A_1036 : i32
          %add3A_1038 = arith.constant 1 : i32
          %add3A_1039 = arith.addi %add3A_1037, %add3A_1038 : i32
          %dma_wait3A_1040 = arith.constant 2 : i32
          %dma_wait3A_1041 = arith.constant 0 : i32
          %dma_wait3A_1042 = arith.constant 0 : i32
          %dma_wait3A_1043 = tpu.memref_slice %arg6[%dma_wait3A_1040, %dma_wait3A_1041, %dma_wait3A_1042] : memref<4x200x64xf32, #tpu.memory_space<vmem>> -> memref<1x200x64xf32, #tpu.memory_space<vmem>>
          %dma_wait3A_1044 = tpu.memref_squeeze %dma_wait3A_1043 : memref<1x200x64xf32, #tpu.memory_space<vmem>> -> memref<200x64xf32, #tpu.memory_space<vmem>>
          %dma_wait3A_1045 = arith.constant 50 : i32
          %dma_wait3A_1046 = arith.constant 0 : i32
          %dma_wait3A_1047 = tpu.memref_slice %dma_wait3A_1044[%dma_wait3A_1045, %dma_wait3A_1046] : memref<200x64xf32, #tpu.memory_space<vmem>> -> memref<50x64xf32, #tpu.memory_space<vmem>>
          %dma_wait3A_1048 = arith.constant 0 : i32
          %dma_wait3A_1049 = arith.constant 0 : i32
          %dma_wait3A_1050 = tpu.memref_slice %arg4[%add3A_1039, %dma_wait3A_1048, %dma_wait3A_1049] : memref<16384x56x128xf32, #tpu.memory_space<hbm>> -> memref<1x50x64xf32, #tpu.memory_space<hbm>>
          %dma_wait3A_1051 = tpu.memref_squeeze %dma_wait3A_1050 : memref<1x50x64xf32, #tpu.memory_space<hbm>> -> memref<50x64xf32, #tpu.memory_space<hbm>>
          %dma_wait3A_1052 = arith.constant 0 : i32
          %dma_wait3A_1053 = arith.constant 0 : i32
          %dma_wait3A_1054 = tpu.memref_slice %arg4[%add3A_1039, %dma_wait3A_1052, %dma_wait3A_1053] : memref<16384x56x128xf32, #tpu.memory_space<hbm>> -> memref<1x50x64xf32, #tpu.memory_space<hbm>>
          %dma_wait3A_1055 = tpu.memref_squeeze %dma_wait3A_1054 : memref<1x50x64xf32, #tpu.memory_space<hbm>> -> memref<50x64xf32, #tpu.memory_space<hbm>>
          %dma_wait3A_1056 = arith.constant 0 : i32
          %dma_wait3A_1057 = arith.constant 0 : i32
          %dma_wait3A_1058 = tpu.memref_slice %arg6[%dma_wait3A_1040, %dma_wait3A_1056, %dma_wait3A_1057] : memref<4x200x64xf32, #tpu.memory_space<vmem>> -> memref<1x200x64xf32, #tpu.memory_space<vmem>>
          %dma_wait3A_1059 = tpu.memref_squeeze %dma_wait3A_1058 : memref<1x200x64xf32, #tpu.memory_space<vmem>> -> memref<200x64xf32, #tpu.memory_space<vmem>>
          %dma_wait3A_1060 = arith.constant 50 : i32
          %dma_wait3A_1061 = arith.constant 0 : i32
          %dma_wait3A_1062 = tpu.memref_slice %dma_wait3A_1059[%dma_wait3A_1060, %dma_wait3A_1061] : memref<200x64xf32, #tpu.memory_space<vmem>> -> memref<50x64xf32, #tpu.memory_space<vmem>>
          tpu.wait_dma2 semaphore(%arg13 : memref<!tpu.dma_semaphore, #tpu.memory_space<semaphore_mem>>) src(%dma_wait3A_1062 : memref<50x64xf32, #tpu.memory_space<vmem>>) dst(%dma_wait3A_1055 : memref<50x64xf32, #tpu.memory_space<hbm>>)
          %mul3A_1063 = arith.constant 4 : i32
          %mul3A_1064 = arith.muli %sub3A_1006, %mul3A_1063 : i32
          %add3A_1065 = arith.addi %mul3A_4, %mul3A_1064 : i32
          %add3A_1066 = arith.constant 2 : i32
          %add3A_1067 = arith.addi %add3A_1065, %add3A_1066 : i32
          %dma_wait3A_1068 = arith.constant 2 : i32
          %dma_wait3A_1069 = arith.constant 0 : i32
          %dma_wait3A_1070 = arith.constant 0 : i32
          %dma_wait3A_1071 = tpu.memref_slice %arg6[%dma_wait3A_1068, %dma_wait3A_1069, %dma_wait3A_1070] : memref<4x200x64xf32, #tpu.memory_space<vmem>> -> memref<1x200x64xf32, #tpu.memory_space<vmem>>
          %dma_wait3A_1072 = tpu.memref_squeeze %dma_wait3A_1071 : memref<1x200x64xf32, #tpu.memory_space<vmem>> -> memref<200x64xf32, #tpu.memory_space<vmem>>
          %dma_wait3A_1073 = arith.constant 100 : i32
          %dma_wait3A_1074 = arith.constant 0 : i32
          %dma_wait3A_1075 = tpu.memref_slice %dma_wait3A_1072[%dma_wait3A_1073, %dma_wait3A_1074] : memref<200x64xf32, #tpu.memory_space<vmem>> -> memref<50x64xf32, #tpu.memory_space<vmem>>
          %dma_wait3A_1076 = arith.constant 0 : i32
          %dma_wait3A_1077 = arith.constant 0 : i32
          %dma_wait3A_1078 = tpu.memref_slice %arg4[%add3A_1067, %dma_wait3A_1076, %dma_wait3A_1077] : memref<16384x56x128xf32, #tpu.memory_space<hbm>> -> memref<1x50x64xf32, #tpu.memory_space<hbm>>
          %dma_wait3A_1079 = tpu.memref_squeeze %dma_wait3A_1078 : memref<1x50x64xf32, #tpu.memory_space<hbm>> -> memref<50x64xf32, #tpu.memory_space<hbm>>
          %dma_wait3A_1080 = arith.constant 0 : i32
          %dma_wait3A_1081 = arith.constant 0 : i32
          %dma_wait3A_1082 = tpu.memref_slice %arg4[%add3A_1067, %dma_wait3A_1080, %dma_wait3A_1081] : memref<16384x56x128xf32, #tpu.memory_space<hbm>> -> memref<1x50x64xf32, #tpu.memory_space<hbm>>
          %dma_wait3A_1083 = tpu.memref_squeeze %dma_wait3A_1082 : memref<1x50x64xf32, #tpu.memory_space<hbm>> -> memref<50x64xf32, #tpu.memory_space<hbm>>
          %dma_wait3A_1084 = arith.constant 0 : i32
          %dma_wait3A_1085 = arith.constant 0 : i32
          %dma_wait3A_1086 = tpu.memref_slice %arg6[%dma_wait3A_1068, %dma_wait3A_1084, %dma_wait3A_1085] : memref<4x200x64xf32, #tpu.memory_space<vmem>> -> memref<1x200x64xf32, #tpu.memory_space<vmem>>
          %dma_wait3A_1087 = tpu.memref_squeeze %dma_wait3A_1086 : memref<1x200x64xf32, #tpu.memory_space<vmem>> -> memref<200x64xf32, #tpu.memory_space<vmem>>
          %dma_wait3A_1088 = arith.constant 100 : i32
          %dma_wait3A_1089 = arith.constant 0 : i32
          %dma_wait3A_1090 = tpu.memref_slice %dma_wait3A_1087[%dma_wait3A_1088, %dma_wait3A_1089] : memref<200x64xf32, #tpu.memory_space<vmem>> -> memref<50x64xf32, #tpu.memory_space<vmem>>
          tpu.wait_dma2 semaphore(%arg13 : memref<!tpu.dma_semaphore, #tpu.memory_space<semaphore_mem>>) src(%dma_wait3A_1090 : memref<50x64xf32, #tpu.memory_space<vmem>>) dst(%dma_wait3A_1083 : memref<50x64xf32, #tpu.memory_space<hbm>>)
          %mul3A_1091 = arith.constant 4 : i32
          %mul3A_1092 = arith.muli %sub3A_1006, %mul3A_1091 : i32
          %add3A_1093 = arith.addi %mul3A_4, %mul3A_1092 : i32
          %add3A_1094 = arith.constant 3 : i32
          %add3A_1095 = arith.addi %add3A_1093, %add3A_1094 : i32
          %dma_wait3A_1096 = arith.constant 2 : i32
          %dma_wait3A_1097 = arith.constant 0 : i32
          %dma_wait3A_1098 = arith.constant 0 : i32
          %dma_wait3A_1099 = tpu.memref_slice %arg6[%dma_wait3A_1096, %dma_wait3A_1097, %dma_wait3A_1098] : memref<4x200x64xf32, #tpu.memory_space<vmem>> -> memref<1x200x64xf32, #tpu.memory_space<vmem>>
          %dma_wait3A_1100 = tpu.memref_squeeze %dma_wait3A_1099 : memref<1x200x64xf32, #tpu.memory_space<vmem>> -> memref<200x64xf32, #tpu.memory_space<vmem>>
          %dma_wait3A_1101 = arith.constant 150 : i32
          %dma_wait3A_1102 = arith.constant 0 : i32
          %dma_wait3A_1103 = tpu.memref_slice %dma_wait3A_1100[%dma_wait3A_1101, %dma_wait3A_1102] : memref<200x64xf32, #tpu.memory_space<vmem>> -> memref<50x64xf32, #tpu.memory_space<vmem>>
          %dma_wait3A_1104 = arith.constant 0 : i32
          %dma_wait3A_1105 = arith.constant 0 : i32
          %dma_wait3A_1106 = tpu.memref_slice %arg4[%add3A_1095, %dma_wait3A_1104, %dma_wait3A_1105] : memref<16384x56x128xf32, #tpu.memory_space<hbm>> -> memref<1x50x64xf32, #tpu.memory_space<hbm>>
          %dma_wait3A_1107 = tpu.memref_squeeze %dma_wait3A_1106 : memref<1x50x64xf32, #tpu.memory_space<hbm>> -> memref<50x64xf32, #tpu.memory_space<hbm>>
          %dma_wait3A_1108 = arith.constant 0 : i32
          %dma_wait3A_1109 = arith.constant 0 : i32
          %dma_wait3A_1110 = tpu.memref_slice %arg4[%add3A_1095, %dma_wait3A_1108, %dma_wait3A_1109] : memref<16384x56x128xf32, #tpu.memory_space<hbm>> -> memref<1x50x64xf32, #tpu.memory_space<hbm>>
          %dma_wait3A_1111 = tpu.memref_squeeze %dma_wait3A_1110 : memref<1x50x64xf32, #tpu.memory_space<hbm>> -> memref<50x64xf32, #tpu.memory_space<hbm>>
          %dma_wait3A_1112 = arith.constant 0 : i32
          %dma_wait3A_1113 = arith.constant 0 : i32
          %dma_wait3A_1114 = tpu.memref_slice %arg6[%dma_wait3A_1096, %dma_wait3A_1112, %dma_wait3A_1113] : memref<4x200x64xf32, #tpu.memory_space<vmem>> -> memref<1x200x64xf32, #tpu.memory_space<vmem>>
          %dma_wait3A_1115 = tpu.memref_squeeze %dma_wait3A_1114 : memref<1x200x64xf32, #tpu.memory_space<vmem>> -> memref<200x64xf32, #tpu.memory_space<vmem>>
          %dma_wait3A_1116 = arith.constant 150 : i32
          %dma_wait3A_1117 = arith.constant 0 : i32
          %dma_wait3A_1118 = tpu.memref_slice %dma_wait3A_1115[%dma_wait3A_1116, %dma_wait3A_1117] : memref<200x64xf32, #tpu.memory_space<vmem>> -> memref<50x64xf32, #tpu.memory_space<vmem>>
          tpu.wait_dma2 semaphore(%arg13 : memref<!tpu.dma_semaphore, #tpu.memory_space<semaphore_mem>>) src(%dma_wait3A_1118 : memref<50x64xf32, #tpu.memory_space<vmem>>) dst(%dma_wait3A_1111 : memref<50x64xf32, #tpu.memory_space<hbm>>)
        } else {
        }
        %add3A_993 = arith.constant 2 : i32
        %add3A_994 = arith.addi %add3A_465, %add3A_993 : i32
        %mul3A_995 = arith.constant 200 : i32
        %mul3A_996 = arith.muli %add3A_994, %mul3A_995 : i32
        %dma_start3A_997 = arith.constant 2 : i32
        %dma_start3A_998 = arith.constant 0 : i32
        %dma_start3A_999 = arith.constant 0 : i32
        %dma_start3A_1000 = tpu.memref_slice %arg6[%dma_start3A_997, %dma_start3A_998, %dma_start3A_999] : memref<4x200x64xf32, #tpu.memory_space<vmem>> -> memref<1x200x64xf32, #tpu.memory_space<vmem>>
        %dma_start3A_1001 = tpu.memref_squeeze %dma_start3A_1000 : memref<1x200x64xf32, #tpu.memory_space<vmem>> -> memref<200x64xf32, #tpu.memory_space<vmem>>
        %dma_start3A_1002 = tpu.memref_slice %arg5[%mul3A_996] : memref<25600xi32, #tpu.memory_space<vmem>> -> memref<200xi32, #tpu.memory_space<vmem>>
        %dma_start3A_1003 = arith.constant 0 : i32
        %dma_start3A_1004 = arith.constant 0 : i32
        %dma_start3A_1005 = tpu.memref_slice %arg3[%dma_start3A_1003, %dma_start3A_1004] : memref<1000000x64xf32, #tpu.memory_space<hbm>> -> memref<1000000x64xf32, #tpu.memory_space<hbm>>
        tpu.enqueue_indirect_dma source(%dma_start3A_1005 : memref<1000000x64xf32, #tpu.memory_space<hbm>>) target(%dma_start3A_1001 : memref<200x64xf32, #tpu.memory_space<vmem>>) offsets(%dma_start3A_1002 : memref<200xi32, #tpu.memory_space<vmem>>) semaphore(%arg9 : memref<!tpu.dma_semaphore, #tpu.memory_space<semaphore_mem>>)
      } else {
      }
      %add3A_593 = arith.constant 1 : i32
      %add3A_594 = arith.addi %add3A_463, %add3A_593 : i32
      %mul3A_595 = arith.constant 200 : i32
      %mul3A_596 = arith.muli %add3A_594, %mul3A_595 : i32
      %dma_wait3A_597 = arith.constant 1 : i32
      %dma_wait3A_598 = arith.constant 0 : i32
      %dma_wait3A_599 = arith.constant 0 : i32
      %dma_wait3A_600 = tpu.memref_slice %arg6[%dma_wait3A_597, %dma_wait3A_598, %dma_wait3A_599] : memref<4x200x64xf32, #tpu.memory_space<vmem>> -> memref<1x200x64xf32, #tpu.memory_space<vmem>>
      %dma_wait3A_601 = tpu.memref_squeeze %dma_wait3A_600 : memref<1x200x64xf32, #tpu.memory_space<vmem>> -> memref<200x64xf32, #tpu.memory_space<vmem>>
      %dma_wait3A_602 = tpu.memref_slice %arg5[%mul3A_596] : memref<25600xi32, #tpu.memory_space<vmem>> -> memref<200xi32, #tpu.memory_space<vmem>>
      %dma_wait3A_603 = arith.constant 0 : i32
      %dma_wait3A_604 = arith.constant 0 : i32
      %dma_wait3A_605 = tpu.memref_slice %arg3[%dma_wait3A_603, %dma_wait3A_604] : memref<1000000x64xf32, #tpu.memory_space<hbm>> -> memref<1000000x64xf32, #tpu.memory_space<hbm>>
      tpu.wait_indirect_dma semaphore(%arg8 : memref<!tpu.dma_semaphore, #tpu.memory_space<semaphore_mem>>) src(%dma_wait3A_605 : memref<1000000x64xf32, #tpu.memory_space<hbm>>) dst(%dma_wait3A_601 : memref<200x64xf32, #tpu.memory_space<vmem>>)
      %mul3A_606 = arith.constant 4 : i32
      %mul3A_607 = arith.muli %add3A_594, %mul3A_606 : i32
      %add3A_608 = arith.addi %mul3A_4, %mul3A_607 : i32
      %add3A_609 = arith.constant 0 : i32
      %add3A_610 = arith.addi %add3A_608, %add3A_609 : i32
      %dma_start3A_611 = arith.constant 1 : i32
      %dma_start3A_612 = arith.constant 0 : i32
      %dma_start3A_613 = arith.constant 0 : i32
      %dma_start3A_614 = tpu.memref_slice %arg6[%dma_start3A_611, %dma_start3A_612, %dma_start3A_613] : memref<4x200x64xf32, #tpu.memory_space<vmem>> -> memref<1x200x64xf32, #tpu.memory_space<vmem>>
      %dma_start3A_615 = tpu.memref_squeeze %dma_start3A_614 : memref<1x200x64xf32, #tpu.memory_space<vmem>> -> memref<200x64xf32, #tpu.memory_space<vmem>>
      %dma_start3A_616 = arith.constant 0 : i32
      %dma_start3A_617 = arith.constant 0 : i32
      %dma_start3A_618 = tpu.memref_slice %dma_start3A_615[%dma_start3A_616, %dma_start3A_617] : memref<200x64xf32, #tpu.memory_space<vmem>> -> memref<50x64xf32, #tpu.memory_space<vmem>>
      %dma_start3A_619 = arith.constant 0 : i32
      %dma_start3A_620 = arith.constant 0 : i32
      %dma_start3A_621 = tpu.memref_slice %arg4[%add3A_610, %dma_start3A_619, %dma_start3A_620] : memref<16384x56x128xf32, #tpu.memory_space<hbm>> -> memref<1x50x64xf32, #tpu.memory_space<hbm>>
      %dma_start3A_622 = tpu.memref_squeeze %dma_start3A_621 : memref<1x50x64xf32, #tpu.memory_space<hbm>> -> memref<50x64xf32, #tpu.memory_space<hbm>>
      %dma_start3A_623 = arith.constant 0 : i32
      %dma_start3A_624 = arith.constant 0 : i32
      %dma_start3A_625 = tpu.memref_slice %arg4[%add3A_610, %dma_start3A_623, %dma_start3A_624] : memref<16384x56x128xf32, #tpu.memory_space<hbm>> -> memref<1x50x64xf32, #tpu.memory_space<hbm>>
      %dma_start3A_626 = tpu.memref_squeeze %dma_start3A_625 : memref<1x50x64xf32, #tpu.memory_space<hbm>> -> memref<50x64xf32, #tpu.memory_space<hbm>>
      %dma_start3A_627 = arith.constant 0 : i32
      %dma_start3A_628 = arith.constant 0 : i32
      %dma_start3A_629 = tpu.memref_slice %arg6[%dma_start3A_611, %dma_start3A_627, %dma_start3A_628] : memref<4x200x64xf32, #tpu.memory_space<vmem>> -> memref<1x200x64xf32, #tpu.memory_space<vmem>>
      %dma_start3A_630 = tpu.memref_squeeze %dma_start3A_629 : memref<1x200x64xf32, #tpu.memory_space<vmem>> -> memref<200x64xf32, #tpu.memory_space<vmem>>
      %dma_start3A_631 = arith.constant 0 : i32
      %dma_start3A_632 = arith.constant 0 : i32
      %dma_start3A_633 = tpu.memref_slice %dma_start3A_630[%dma_start3A_631, %dma_start3A_632] : memref<200x64xf32, #tpu.memory_space<vmem>> -> memref<50x64xf32, #tpu.memory_space<vmem>>
      tpu.enqueue_dma source(%dma_start3A_633 : memref<50x64xf32, #tpu.memory_space<vmem>>) target(%dma_start3A_626 : memref<50x64xf32, #tpu.memory_space<hbm>>) target_semaphore(%arg12 : memref<!tpu.dma_semaphore, #tpu.memory_space<semaphore_mem>>)
      %mul3A_634 = arith.constant 4 : i32
      %mul3A_635 = arith.muli %add3A_594, %mul3A_634 : i32
      %add3A_636 = arith.addi %mul3A_4, %mul3A_635 : i32
      %add3A_637 = arith.constant 1 : i32
      %add3A_638 = arith.addi %add3A_636, %add3A_637 : i32
      %dma_start3A_639 = arith.constant 1 : i32
      %dma_start3A_640 = arith.constant 0 : i32
      %dma_start3A_641 = arith.constant 0 : i32
      %dma_start3A_642 = tpu.memref_slice %arg6[%dma_start3A_639, %dma_start3A_640, %dma_start3A_641] : memref<4x200x64xf32, #tpu.memory_space<vmem>> -> memref<1x200x64xf32, #tpu.memory_space<vmem>>
      %dma_start3A_643 = tpu.memref_squeeze %dma_start3A_642 : memref<1x200x64xf32, #tpu.memory_space<vmem>> -> memref<200x64xf32, #tpu.memory_space<vmem>>
      %dma_start3A_644 = arith.constant 50 : i32
      %dma_start3A_645 = arith.constant 0 : i32
      %dma_start3A_646 = tpu.memref_slice %dma_start3A_643[%dma_start3A_644, %dma_start3A_645] : memref<200x64xf32, #tpu.memory_space<vmem>> -> memref<50x64xf32, #tpu.memory_space<vmem>>
      %dma_start3A_647 = arith.constant 0 : i32
      %dma_start3A_648 = arith.constant 0 : i32
      %dma_start3A_649 = tpu.memref_slice %arg4[%add3A_638, %dma_start3A_647, %dma_start3A_648] : memref<16384x56x128xf32, #tpu.memory_space<hbm>> -> memref<1x50x64xf32, #tpu.memory_space<hbm>>
      %dma_start3A_650 = tpu.memref_squeeze %dma_start3A_649 : memref<1x50x64xf32, #tpu.memory_space<hbm>> -> memref<50x64xf32, #tpu.memory_space<hbm>>
      %dma_start3A_651 = arith.constant 0 : i32
      %dma_start3A_652 = arith.constant 0 : i32
      %dma_start3A_653 = tpu.memref_slice %arg4[%add3A_638, %dma_start3A_651, %dma_start3A_652] : memref<16384x56x128xf32, #tpu.memory_space<hbm>> -> memref<1x50x64xf32, #tpu.memory_space<hbm>>
      %dma_start3A_654 = tpu.memref_squeeze %dma_start3A_653 : memref<1x50x64xf32, #tpu.memory_space<hbm>> -> memref<50x64xf32, #tpu.memory_space<hbm>>
      %dma_start3A_655 = arith.constant 0 : i32
      %dma_start3A_656 = arith.constant 0 : i32
      %dma_start3A_657 = tpu.memref_slice %arg6[%dma_start3A_639, %dma_start3A_655, %dma_start3A_656] : memref<4x200x64xf32, #tpu.memory_space<vmem>> -> memref<1x200x64xf32, #tpu.memory_space<vmem>>
      %dma_start3A_658 = tpu.memref_squeeze %dma_start3A_657 : memref<1x200x64xf32, #tpu.memory_space<vmem>> -> memref<200x64xf32, #tpu.memory_space<vmem>>
      %dma_start3A_659 = arith.constant 50 : i32
      %dma_start3A_660 = arith.constant 0 : i32
      %dma_start3A_661 = tpu.memref_slice %dma_start3A_658[%dma_start3A_659, %dma_start3A_660] : memref<200x64xf32, #tpu.memory_space<vmem>> -> memref<50x64xf32, #tpu.memory_space<vmem>>
      tpu.enqueue_dma source(%dma_start3A_661 : memref<50x64xf32, #tpu.memory_space<vmem>>) target(%dma_start3A_654 : memref<50x64xf32, #tpu.memory_space<hbm>>) target_semaphore(%arg12 : memref<!tpu.dma_semaphore, #tpu.memory_space<semaphore_mem>>)
      %mul3A_662 = arith.constant 4 : i32
      %mul3A_663 = arith.muli %add3A_594, %mul3A_662 : i32
      %add3A_664 = arith.addi %mul3A_4, %mul3A_663 : i32
      %add3A_665 = arith.constant 2 : i32
      %add3A_666 = arith.addi %add3A_664, %add3A_665 : i32
      %dma_start3A_667 = arith.constant 1 : i32
      %dma_start3A_668 = arith.constant 0 : i32
      %dma_start3A_669 = arith.constant 0 : i32
      %dma_start3A_670 = tpu.memref_slice %arg6[%dma_start3A_667, %dma_start3A_668, %dma_start3A_669] : memref<4x200x64xf32, #tpu.memory_space<vmem>> -> memref<1x200x64xf32, #tpu.memory_space<vmem>>
      %dma_start3A_671 = tpu.memref_squeeze %dma_start3A_670 : memref<1x200x64xf32, #tpu.memory_space<vmem>> -> memref<200x64xf32, #tpu.memory_space<vmem>>
      %dma_start3A_672 = arith.constant 100 : i32
      %dma_start3A_673 = arith.constant 0 : i32
      %dma_start3A_674 = tpu.memref_slice %dma_start3A_671[%dma_start3A_672, %dma_start3A_673] : memref<200x64xf32, #tpu.memory_space<vmem>> -> memref<50x64xf32, #tpu.memory_space<vmem>>
      %dma_start3A_675 = arith.constant 0 : i32
      %dma_start3A_676 = arith.constant 0 : i32
      %dma_start3A_677 = tpu.memref_slice %arg4[%add3A_666, %dma_start3A_675, %dma_start3A_676] : memref<16384x56x128xf32, #tpu.memory_space<hbm>> -> memref<1x50x64xf32, #tpu.memory_space<hbm>>
      %dma_start3A_678 = tpu.memref_squeeze %dma_start3A_677 : memref<1x50x64xf32, #tpu.memory_space<hbm>> -> memref<50x64xf32, #tpu.memory_space<hbm>>
      %dma_start3A_679 = arith.constant 0 : i32
      %dma_start3A_680 = arith.constant 0 : i32
      %dma_start3A_681 = tpu.memref_slice %arg4[%add3A_666, %dma_start3A_679, %dma_start3A_680] : memref<16384x56x128xf32, #tpu.memory_space<hbm>> -> memref<1x50x64xf32, #tpu.memory_space<hbm>>
      %dma_start3A_682 = tpu.memref_squeeze %dma_start3A_681 : memref<1x50x64xf32, #tpu.memory_space<hbm>> -> memref<50x64xf32, #tpu.memory_space<hbm>>
      %dma_start3A_683 = arith.constant 0 : i32
      %dma_start3A_684 = arith.constant 0 : i32
      %dma_start3A_685 = tpu.memref_slice %arg6[%dma_start3A_667, %dma_start3A_683, %dma_start3A_684] : memref<4x200x64xf32, #tpu.memory_space<vmem>> -> memref<1x200x64xf32, #tpu.memory_space<vmem>>
      %dma_start3A_686 = tpu.memref_squeeze %dma_start3A_685 : memref<1x200x64xf32, #tpu.memory_space<vmem>> -> memref<200x64xf32, #tpu.memory_space<vmem>>
      %dma_start3A_687 = arith.constant 100 : i32
      %dma_start3A_688 = arith.constant 0 : i32
      %dma_start3A_689 = tpu.memref_slice %dma_start3A_686[%dma_start3A_687, %dma_start3A_688] : memref<200x64xf32, #tpu.memory_space<vmem>> -> memref<50x64xf32, #tpu.memory_space<vmem>>
      tpu.enqueue_dma source(%dma_start3A_689 : memref<50x64xf32, #tpu.memory_space<vmem>>) target(%dma_start3A_682 : memref<50x64xf32, #tpu.memory_space<hbm>>) target_semaphore(%arg12 : memref<!tpu.dma_semaphore, #tpu.memory_space<semaphore_mem>>)
      %mul3A_690 = arith.constant 4 : i32
      %mul3A_691 = arith.muli %add3A_594, %mul3A_690 : i32
      %add3A_692 = arith.addi %mul3A_4, %mul3A_691 : i32
      %add3A_693 = arith.constant 3 : i32
      %add3A_694 = arith.addi %add3A_692, %add3A_693 : i32
      %dma_start3A_695 = arith.constant 1 : i32
      %dma_start3A_696 = arith.constant 0 : i32
      %dma_start3A_697 = arith.constant 0 : i32
      %dma_start3A_698 = tpu.memref_slice %arg6[%dma_start3A_695, %dma_start3A_696, %dma_start3A_697] : memref<4x200x64xf32, #tpu.memory_space<vmem>> -> memref<1x200x64xf32, #tpu.memory_space<vmem>>
      %dma_start3A_699 = tpu.memref_squeeze %dma_start3A_698 : memref<1x200x64xf32, #tpu.memory_space<vmem>> -> memref<200x64xf32, #tpu.memory_space<vmem>>
      %dma_start3A_700 = arith.constant 150 : i32
      %dma_start3A_701 = arith.constant 0 : i32
      %dma_start3A_702 = tpu.memref_slice %dma_start3A_699[%dma_start3A_700, %dma_start3A_701] : memref<200x64xf32, #tpu.memory_space<vmem>> -> memref<50x64xf32, #tpu.memory_space<vmem>>
      %dma_start3A_703 = arith.constant 0 : i32
      %dma_start3A_704 = arith.constant 0 : i32
      %dma_start3A_705 = tpu.memref_slice %arg4[%add3A_694, %dma_start3A_703, %dma_start3A_704] : memref<16384x56x128xf32, #tpu.memory_space<hbm>> -> memref<1x50x64xf32, #tpu.memory_space<hbm>>
      %dma_start3A_706 = tpu.memref_squeeze %dma_start3A_705 : memref<1x50x64xf32, #tpu.memory_space<hbm>> -> memref<50x64xf32, #tpu.memory_space<hbm>>
      %dma_start3A_707 = arith.constant 0 : i32
      %dma_start3A_708 = arith.constant 0 : i32
      %dma_start3A_709 = tpu.memref_slice %arg4[%add3A_694, %dma_start3A_707, %dma_start3A_708] : memref<16384x56x128xf32, #tpu.memory_space<hbm>> -> memref<1x50x64xf32, #tpu.memory_space<hbm>>
      %dma_start3A_710 = tpu.memref_squeeze %dma_start3A_709 : memref<1x50x64xf32, #tpu.memory_space<hbm>> -> memref<50x64xf32, #tpu.memory_space<hbm>>
      %dma_start3A_711 = arith.constant 0 : i32
      %dma_start3A_712 = arith.constant 0 : i32
      %dma_start3A_713 = tpu.memref_slice %arg6[%dma_start3A_695, %dma_start3A_711, %dma_start3A_712] : memref<4x200x64xf32, #tpu.memory_space<vmem>> -> memref<1x200x64xf32, #tpu.memory_space<vmem>>
      %dma_start3A_714 = tpu.memref_squeeze %dma_start3A_713 : memref<1x200x64xf32, #tpu.memory_space<vmem>> -> memref<200x64xf32, #tpu.memory_space<vmem>>
      %dma_start3A_715 = arith.constant 150 : i32
      %dma_start3A_716 = arith.constant 0 : i32
      %dma_start3A_717 = tpu.memref_slice %dma_start3A_714[%dma_start3A_715, %dma_start3A_716] : memref<200x64xf32, #tpu.memory_space<vmem>> -> memref<50x64xf32, #tpu.memory_space<vmem>>
      tpu.enqueue_dma source(%dma_start3A_717 : memref<50x64xf32, #tpu.memory_space<vmem>>) target(%dma_start3A_710 : memref<50x64xf32, #tpu.memory_space<hbm>>) target_semaphore(%arg12 : memref<!tpu.dma_semaphore, #tpu.memory_space<semaphore_mem>>)
      %add3A_718 = arith.constant 2 : i32
      %add3A_719 = arith.addi %add3A_594, %add3A_718 : i32
      %lt3A_720 = arith.constant 128 : i32
      %lt3A_721 = arith.cmpi slt, %add3A_719, %lt3A_720 : i32
      %convert_element_type3A_722 = arith.extui %lt3A_721 : i1 to i32
      %cond3A_723 = arith.constant 0 : i32
      %cond3A_724 = arith.cmpi ne, %convert_element_type3A_722, %cond3A_723 : i32
      scf.if %cond3A_724 {
        %ge3A = arith.constant 2 : i32
        %ge3A_989 = arith.cmpi sge, %add3A_594, %ge3A : i32
        %convert_element_type3A_990 = arith.extui %ge3A_989 : i1 to i32
        %cond3A_991 = arith.constant 0 : i32
        %cond3A_992 = arith.cmpi ne, %convert_element_type3A_990, %cond3A_991 : i32
        scf.if %cond3A_992 {
          %sub3A = arith.constant 2 : i32
          %sub3A_1006 = arith.subi %add3A_594, %sub3A : i32
          %mul3A_1007 = arith.constant 4 : i32
          %mul3A_1008 = arith.muli %sub3A_1006, %mul3A_1007 : i32
          %add3A_1009 = arith.addi %mul3A_4, %mul3A_1008 : i32
          %add3A_1010 = arith.constant 0 : i32
          %add3A_1011 = arith.addi %add3A_1009, %add3A_1010 : i32
          %dma_wait3A_1012 = arith.constant 3 : i32
          %dma_wait3A_1013 = arith.constant 0 : i32
          %dma_wait3A_1014 = arith.constant 0 : i32
          %dma_wait3A_1015 = tpu.memref_slice %arg6[%dma_wait3A_1012, %dma_wait3A_1013, %dma_wait3A_1014] : memref<4x200x64xf32, #tpu.memory_space<vmem>> -> memref<1x200x64xf32, #tpu.memory_space<vmem>>
          %dma_wait3A_1016 = tpu.memref_squeeze %dma_wait3A_1015 : memref<1x200x64xf32, #tpu.memory_space<vmem>> -> memref<200x64xf32, #tpu.memory_space<vmem>>
          %dma_wait3A_1017 = arith.constant 0 : i32
          %dma_wait3A_1018 = arith.constant 0 : i32
          %dma_wait3A_1019 = tpu.memref_slice %dma_wait3A_1016[%dma_wait3A_1017, %dma_wait3A_1018] : memref<200x64xf32, #tpu.memory_space<vmem>> -> memref<50x64xf32, #tpu.memory_space<vmem>>
          %dma_wait3A_1020 = arith.constant 0 : i32
          %dma_wait3A_1021 = arith.constant 0 : i32
          %dma_wait3A_1022 = tpu.memref_slice %arg4[%add3A_1011, %dma_wait3A_1020, %dma_wait3A_1021] : memref<16384x56x128xf32, #tpu.memory_space<hbm>> -> memref<1x50x64xf32, #tpu.memory_space<hbm>>
          %dma_wait3A_1023 = tpu.memref_squeeze %dma_wait3A_1022 : memref<1x50x64xf32, #tpu.memory_space<hbm>> -> memref<50x64xf32, #tpu.memory_space<hbm>>
          %dma_wait3A_1024 = arith.constant 0 : i32
          %dma_wait3A_1025 = arith.constant 0 : i32
          %dma_wait3A_1026 = tpu.memref_slice %arg4[%add3A_1011, %dma_wait3A_1024, %dma_wait3A_1025] : memref<16384x56x128xf32, #tpu.memory_space<hbm>> -> memref<1x50x64xf32, #tpu.memory_space<hbm>>
          %dma_wait3A_1027 = tpu.memref_squeeze %dma_wait3A_1026 : memref<1x50x64xf32, #tpu.memory_space<hbm>> -> memref<50x64xf32, #tpu.memory_space<hbm>>
          %dma_wait3A_1028 = arith.constant 0 : i32
          %dma_wait3A_1029 = arith.constant 0 : i32
          %dma_wait3A_1030 = tpu.memref_slice %arg6[%dma_wait3A_1012, %dma_wait3A_1028, %dma_wait3A_1029] : memref<4x200x64xf32, #tpu.memory_space<vmem>> -> memref<1x200x64xf32, #tpu.memory_space<vmem>>
          %dma_wait3A_1031 = tpu.memref_squeeze %dma_wait3A_1030 : memref<1x200x64xf32, #tpu.memory_space<vmem>> -> memref<200x64xf32, #tpu.memory_space<vmem>>
          %dma_wait3A_1032 = arith.constant 0 : i32
          %dma_wait3A_1033 = arith.constant 0 : i32
          %dma_wait3A_1034 = tpu.memref_slice %dma_wait3A_1031[%dma_wait3A_1032, %dma_wait3A_1033] : memref<200x64xf32, #tpu.memory_space<vmem>> -> memref<50x64xf32, #tpu.memory_space<vmem>>
          tpu.wait_dma2 semaphore(%arg14 : memref<!tpu.dma_semaphore, #tpu.memory_space<semaphore_mem>>) src(%dma_wait3A_1034 : memref<50x64xf32, #tpu.memory_space<vmem>>) dst(%dma_wait3A_1027 : memref<50x64xf32, #tpu.memory_space<hbm>>)
          %mul3A_1035 = arith.constant 4 : i32
          %mul3A_1036 = arith.muli %sub3A_1006, %mul3A_1035 : i32
          %add3A_1037 = arith.addi %mul3A_4, %mul3A_1036 : i32
          %add3A_1038 = arith.constant 1 : i32
          %add3A_1039 = arith.addi %add3A_1037, %add3A_1038 : i32
          %dma_wait3A_1040 = arith.constant 3 : i32
          %dma_wait3A_1041 = arith.constant 0 : i32
          %dma_wait3A_1042 = arith.constant 0 : i32
          %dma_wait3A_1043 = tpu.memref_slice %arg6[%dma_wait3A_1040, %dma_wait3A_1041, %dma_wait3A_1042] : memref<4x200x64xf32, #tpu.memory_space<vmem>> -> memref<1x200x64xf32, #tpu.memory_space<vmem>>
          %dma_wait3A_1044 = tpu.memref_squeeze %dma_wait3A_1043 : memref<1x200x64xf32, #tpu.memory_space<vmem>> -> memref<200x64xf32, #tpu.memory_space<vmem>>
          %dma_wait3A_1045 = arith.constant 50 : i32
          %dma_wait3A_1046 = arith.constant 0 : i32
          %dma_wait3A_1047 = tpu.memref_slice %dma_wait3A_1044[%dma_wait3A_1045, %dma_wait3A_1046] : memref<200x64xf32, #tpu.memory_space<vmem>> -> memref<50x64xf32, #tpu.memory_space<vmem>>
          %dma_wait3A_1048 = arith.constant 0 : i32
          %dma_wait3A_1049 = arith.constant 0 : i32
          %dma_wait3A_1050 = tpu.memref_slice %arg4[%add3A_1039, %dma_wait3A_1048, %dma_wait3A_1049] : memref<16384x56x128xf32, #tpu.memory_space<hbm>> -> memref<1x50x64xf32, #tpu.memory_space<hbm>>
          %dma_wait3A_1051 = tpu.memref_squeeze %dma_wait3A_1050 : memref<1x50x64xf32, #tpu.memory_space<hbm>> -> memref<50x64xf32, #tpu.memory_space<hbm>>
          %dma_wait3A_1052 = arith.constant 0 : i32
          %dma_wait3A_1053 = arith.constant 0 : i32
          %dma_wait3A_1054 = tpu.memref_slice %arg4[%add3A_1039, %dma_wait3A_1052, %dma_wait3A_1053] : memref<16384x56x128xf32, #tpu.memory_space<hbm>> -> memref<1x50x64xf32, #tpu.memory_space<hbm>>
          %dma_wait3A_1055 = tpu.memref_squeeze %dma_wait3A_1054 : memref<1x50x64xf32, #tpu.memory_space<hbm>> -> memref<50x64xf32, #tpu.memory_space<hbm>>
          %dma_wait3A_1056 = arith.constant 0 : i32
          %dma_wait3A_1057 = arith.constant 0 : i32
          %dma_wait3A_1058 = tpu.memref_slice %arg6[%dma_wait3A_1040, %dma_wait3A_1056, %dma_wait3A_1057] : memref<4x200x64xf32, #tpu.memory_space<vmem>> -> memref<1x200x64xf32, #tpu.memory_space<vmem>>
          %dma_wait3A_1059 = tpu.memref_squeeze %dma_wait3A_1058 : memref<1x200x64xf32, #tpu.memory_space<vmem>> -> memref<200x64xf32, #tpu.memory_space<vmem>>
          %dma_wait3A_1060 = arith.constant 50 : i32
          %dma_wait3A_1061 = arith.constant 0 : i32
          %dma_wait3A_1062 = tpu.memref_slice %dma_wait3A_1059[%dma_wait3A_1060, %dma_wait3A_1061] : memref<200x64xf32, #tpu.memory_space<vmem>> -> memref<50x64xf32, #tpu.memory_space<vmem>>
          tpu.wait_dma2 semaphore(%arg14 : memref<!tpu.dma_semaphore, #tpu.memory_space<semaphore_mem>>) src(%dma_wait3A_1062 : memref<50x64xf32, #tpu.memory_space<vmem>>) dst(%dma_wait3A_1055 : memref<50x64xf32, #tpu.memory_space<hbm>>)
          %mul3A_1063 = arith.constant 4 : i32
          %mul3A_1064 = arith.muli %sub3A_1006, %mul3A_1063 : i32
          %add3A_1065 = arith.addi %mul3A_4, %mul3A_1064 : i32
          %add3A_1066 = arith.constant 2 : i32
          %add3A_1067 = arith.addi %add3A_1065, %add3A_1066 : i32
          %dma_wait3A_1068 = arith.constant 3 : i32
          %dma_wait3A_1069 = arith.constant 0 : i32
          %dma_wait3A_1070 = arith.constant 0 : i32
          %dma_wait3A_1071 = tpu.memref_slice %arg6[%dma_wait3A_1068, %dma_wait3A_1069, %dma_wait3A_1070] : memref<4x200x64xf32, #tpu.memory_space<vmem>> -> memref<1x200x64xf32, #tpu.memory_space<vmem>>
          %dma_wait3A_1072 = tpu.memref_squeeze %dma_wait3A_1071 : memref<1x200x64xf32, #tpu.memory_space<vmem>> -> memref<200x64xf32, #tpu.memory_space<vmem>>
          %dma_wait3A_1073 = arith.constant 100 : i32
          %dma_wait3A_1074 = arith.constant 0 : i32
          %dma_wait3A_1075 = tpu.memref_slice %dma_wait3A_1072[%dma_wait3A_1073, %dma_wait3A_1074] : memref<200x64xf32, #tpu.memory_space<vmem>> -> memref<50x64xf32, #tpu.memory_space<vmem>>
          %dma_wait3A_1076 = arith.constant 0 : i32
          %dma_wait3A_1077 = arith.constant 0 : i32
          %dma_wait3A_1078 = tpu.memref_slice %arg4[%add3A_1067, %dma_wait3A_1076, %dma_wait3A_1077] : memref<16384x56x128xf32, #tpu.memory_space<hbm>> -> memref<1x50x64xf32, #tpu.memory_space<hbm>>
          %dma_wait3A_1079 = tpu.memref_squeeze %dma_wait3A_1078 : memref<1x50x64xf32, #tpu.memory_space<hbm>> -> memref<50x64xf32, #tpu.memory_space<hbm>>
          %dma_wait3A_1080 = arith.constant 0 : i32
          %dma_wait3A_1081 = arith.constant 0 : i32
          %dma_wait3A_1082 = tpu.memref_slice %arg4[%add3A_1067, %dma_wait3A_1080, %dma_wait3A_1081] : memref<16384x56x128xf32, #tpu.memory_space<hbm>> -> memref<1x50x64xf32, #tpu.memory_space<hbm>>
          %dma_wait3A_1083 = tpu.memref_squeeze %dma_wait3A_1082 : memref<1x50x64xf32, #tpu.memory_space<hbm>> -> memref<50x64xf32, #tpu.memory_space<hbm>>
          %dma_wait3A_1084 = arith.constant 0 : i32
          %dma_wait3A_1085 = arith.constant 0 : i32
          %dma_wait3A_1086 = tpu.memref_slice %arg6[%dma_wait3A_1068, %dma_wait3A_1084, %dma_wait3A_1085] : memref<4x200x64xf32, #tpu.memory_space<vmem>> -> memref<1x200x64xf32, #tpu.memory_space<vmem>>
          %dma_wait3A_1087 = tpu.memref_squeeze %dma_wait3A_1086 : memref<1x200x64xf32, #tpu.memory_space<vmem>> -> memref<200x64xf32, #tpu.memory_space<vmem>>
          %dma_wait3A_1088 = arith.constant 100 : i32
          %dma_wait3A_1089 = arith.constant 0 : i32
          %dma_wait3A_1090 = tpu.memref_slice %dma_wait3A_1087[%dma_wait3A_1088, %dma_wait3A_1089] : memref<200x64xf32, #tpu.memory_space<vmem>> -> memref<50x64xf32, #tpu.memory_space<vmem>>
          tpu.wait_dma2 semaphore(%arg14 : memref<!tpu.dma_semaphore, #tpu.memory_space<semaphore_mem>>) src(%dma_wait3A_1090 : memref<50x64xf32, #tpu.memory_space<vmem>>) dst(%dma_wait3A_1083 : memref<50x64xf32, #tpu.memory_space<hbm>>)
          %mul3A_1091 = arith.constant 4 : i32
          %mul3A_1092 = arith.muli %sub3A_1006, %mul3A_1091 : i32
          %add3A_1093 = arith.addi %mul3A_4, %mul3A_1092 : i32
          %add3A_1094 = arith.constant 3 : i32
          %add3A_1095 = arith.addi %add3A_1093, %add3A_1094 : i32
          %dma_wait3A_1096 = arith.constant 3 : i32
          %dma_wait3A_1097 = arith.constant 0 : i32
          %dma_wait3A_1098 = arith.constant 0 : i32
          %dma_wait3A_1099 = tpu.memref_slice %arg6[%dma_wait3A_1096, %dma_wait3A_1097, %dma_wait3A_1098] : memref<4x200x64xf32, #tpu.memory_space<vmem>> -> memref<1x200x64xf32, #tpu.memory_space<vmem>>
          %dma_wait3A_1100 = tpu.memref_squeeze %dma_wait3A_1099 : memref<1x200x64xf32, #tpu.memory_space<vmem>> -> memref<200x64xf32, #tpu.memory_space<vmem>>
          %dma_wait3A_1101 = arith.constant 150 : i32
          %dma_wait3A_1102 = arith.constant 0 : i32
          %dma_wait3A_1103 = tpu.memref_slice %dma_wait3A_1100[%dma_wait3A_1101, %dma_wait3A_1102] : memref<200x64xf32, #tpu.memory_space<vmem>> -> memref<50x64xf32, #tpu.memory_space<vmem>>
          %dma_wait3A_1104 = arith.constant 0 : i32
          %dma_wait3A_1105 = arith.constant 0 : i32
          %dma_wait3A_1106 = tpu.memref_slice %arg4[%add3A_1095, %dma_wait3A_1104, %dma_wait3A_1105] : memref<16384x56x128xf32, #tpu.memory_space<hbm>> -> memref<1x50x64xf32, #tpu.memory_space<hbm>>
          %dma_wait3A_1107 = tpu.memref_squeeze %dma_wait3A_1106 : memref<1x50x64xf32, #tpu.memory_space<hbm>> -> memref<50x64xf32, #tpu.memory_space<hbm>>
          %dma_wait3A_1108 = arith.constant 0 : i32
          %dma_wait3A_1109 = arith.constant 0 : i32
          %dma_wait3A_1110 = tpu.memref_slice %arg4[%add3A_1095, %dma_wait3A_1108, %dma_wait3A_1109] : memref<16384x56x128xf32, #tpu.memory_space<hbm>> -> memref<1x50x64xf32, #tpu.memory_space<hbm>>
          %dma_wait3A_1111 = tpu.memref_squeeze %dma_wait3A_1110 : memref<1x50x64xf32, #tpu.memory_space<hbm>> -> memref<50x64xf32, #tpu.memory_space<hbm>>
          %dma_wait3A_1112 = arith.constant 0 : i32
          %dma_wait3A_1113 = arith.constant 0 : i32
          %dma_wait3A_1114 = tpu.memref_slice %arg6[%dma_wait3A_1096, %dma_wait3A_1112, %dma_wait3A_1113] : memref<4x200x64xf32, #tpu.memory_space<vmem>> -> memref<1x200x64xf32, #tpu.memory_space<vmem>>
          %dma_wait3A_1115 = tpu.memref_squeeze %dma_wait3A_1114 : memref<1x200x64xf32, #tpu.memory_space<vmem>> -> memref<200x64xf32, #tpu.memory_space<vmem>>
          %dma_wait3A_1116 = arith.constant 150 : i32
          %dma_wait3A_1117 = arith.constant 0 : i32
          %dma_wait3A_1118 = tpu.memref_slice %dma_wait3A_1115[%dma_wait3A_1116, %dma_wait3A_1117] : memref<200x64xf32, #tpu.memory_space<vmem>> -> memref<50x64xf32, #tpu.memory_space<vmem>>
          tpu.wait_dma2 semaphore(%arg14 : memref<!tpu.dma_semaphore, #tpu.memory_space<semaphore_mem>>) src(%dma_wait3A_1118 : memref<50x64xf32, #tpu.memory_space<vmem>>) dst(%dma_wait3A_1111 : memref<50x64xf32, #tpu.memory_space<hbm>>)
        } else {
        }
        %add3A_993 = arith.constant 2 : i32
        %add3A_994 = arith.addi %add3A_594, %add3A_993 : i32
        %mul3A_995 = arith.constant 200 : i32
        %mul3A_996 = arith.muli %add3A_994, %mul3A_995 : i32
        %dma_start3A_997 = arith.constant 3 : i32
        %dma_start3A_998 = arith.constant 0 : i32
        %dma_start3A_999 = arith.constant 0 : i32
        %dma_start3A_1000 = tpu.memref_slice %arg6[%dma_start3A_997, %dma_start3A_998, %dma_start3A_999] : memref<4x200x64xf32, #tpu.memory_space<vmem>> -> memref<1x200x64xf32, #tpu.memory_space<vmem>>
        %dma_start3A_1001 = tpu.memref_squeeze %dma_start3A_1000 : memref<1x200x64xf32, #tpu.memory_space<vmem>> -> memref<200x64xf32, #tpu.memory_space<vmem>>
        %dma_start3A_1002 = tpu.memref_slice %arg5[%mul3A_996] : memref<25600xi32, #tpu.memory_space<vmem>> -> memref<200xi32, #tpu.memory_space<vmem>>
        %dma_start3A_1003 = arith.constant 0 : i32
        %dma_start3A_1004 = arith.constant 0 : i32
        %dma_start3A_1005 = tpu.memref_slice %arg3[%dma_start3A_1003, %dma_start3A_1004] : memref<1000000x64xf32, #tpu.memory_space<hbm>> -> memref<1000000x64xf32, #tpu.memory_space<hbm>>
        tpu.enqueue_indirect_dma source(%dma_start3A_1005 : memref<1000000x64xf32, #tpu.memory_space<hbm>>) target(%dma_start3A_1001 : memref<200x64xf32, #tpu.memory_space<vmem>>) offsets(%dma_start3A_1002 : memref<200xi32, #tpu.memory_space<vmem>>) semaphore(%arg10 : memref<!tpu.dma_semaphore, #tpu.memory_space<semaphore_mem>>)
      } else {
      }
      %add3A_725 = arith.constant 2 : i32
      %add3A_726 = arith.addi %add3A_463, %add3A_725 : i32
      %mul3A_727 = arith.constant 200 : i32
      %mul3A_728 = arith.muli %add3A_726, %mul3A_727 : i32
      %dma_wait3A_729 = arith.constant 2 : i32
      %dma_wait3A_730 = arith.constant 0 : i32
      %dma_wait3A_731 = arith.constant 0 : i32
      %dma_wait3A_732 = tpu.memref_slice %arg6[%dma_wait3A_729, %dma_wait3A_730, %dma_wait3A_731] : memref<4x200x64xf32, #tpu.memory_space<vmem>> -> memref<1x200x64xf32, #tpu.memory_space<vmem>>
      %dma_wait3A_733 = tpu.memref_squeeze %dma_wait3A_732 : memref<1x200x64xf32, #tpu.memory_space<vmem>> -> memref<200x64xf32, #tpu.memory_space<vmem>>
      %dma_wait3A_734 = tpu.memref_slice %arg5[%mul3A_728] : memref<25600xi32, #tpu.memory_space<vmem>> -> memref<200xi32, #tpu.memory_space<vmem>>
      %dma_wait3A_735 = arith.constant 0 : i32
      %dma_wait3A_736 = arith.constant 0 : i32
      %dma_wait3A_737 = tpu.memref_slice %arg3[%dma_wait3A_735, %dma_wait3A_736] : memref<1000000x64xf32, #tpu.memory_space<hbm>> -> memref<1000000x64xf32, #tpu.memory_space<hbm>>
      tpu.wait_indirect_dma semaphore(%arg9 : memref<!tpu.dma_semaphore, #tpu.memory_space<semaphore_mem>>) src(%dma_wait3A_737 : memref<1000000x64xf32, #tpu.memory_space<hbm>>) dst(%dma_wait3A_733 : memref<200x64xf32, #tpu.memory_space<vmem>>)
      %mul3A_738 = arith.constant 4 : i32
      %mul3A_739 = arith.muli %add3A_726, %mul3A_738 : i32
      %add3A_740 = arith.addi %mul3A_4, %mul3A_739 : i32
      %add3A_741 = arith.constant 0 : i32
      %add3A_742 = arith.addi %add3A_740, %add3A_741 : i32
      %dma_start3A_743 = arith.constant 2 : i32
      %dma_start3A_744 = arith.constant 0 : i32
      %dma_start3A_745 = arith.constant 0 : i32
      %dma_start3A_746 = tpu.memref_slice %arg6[%dma_start3A_743, %dma_start3A_744, %dma_start3A_745] : memref<4x200x64xf32, #tpu.memory_space<vmem>> -> memref<1x200x64xf32, #tpu.memory_space<vmem>>
      %dma_start3A_747 = tpu.memref_squeeze %dma_start3A_746 : memref<1x200x64xf32, #tpu.memory_space<vmem>> -> memref<200x64xf32, #tpu.memory_space<vmem>>
      %dma_start3A_748 = arith.constant 0 : i32
      %dma_start3A_749 = arith.constant 0 : i32
      %dma_start3A_750 = tpu.memref_slice %dma_start3A_747[%dma_start3A_748, %dma_start3A_749] : memref<200x64xf32, #tpu.memory_space<vmem>> -> memref<50x64xf32, #tpu.memory_space<vmem>>
      %dma_start3A_751 = arith.constant 0 : i32
      %dma_start3A_752 = arith.constant 0 : i32
      %dma_start3A_753 = tpu.memref_slice %arg4[%add3A_742, %dma_start3A_751, %dma_start3A_752] : memref<16384x56x128xf32, #tpu.memory_space<hbm>> -> memref<1x50x64xf32, #tpu.memory_space<hbm>>
      %dma_start3A_754 = tpu.memref_squeeze %dma_start3A_753 : memref<1x50x64xf32, #tpu.memory_space<hbm>> -> memref<50x64xf32, #tpu.memory_space<hbm>>
      %dma_start3A_755 = arith.constant 0 : i32
      %dma_start3A_756 = arith.constant 0 : i32
      %dma_start3A_757 = tpu.memref_slice %arg4[%add3A_742, %dma_start3A_755, %dma_start3A_756] : memref<16384x56x128xf32, #tpu.memory_space<hbm>> -> memref<1x50x64xf32, #tpu.memory_space<hbm>>
      %dma_start3A_758 = tpu.memref_squeeze %dma_start3A_757 : memref<1x50x64xf32, #tpu.memory_space<hbm>> -> memref<50x64xf32, #tpu.memory_space<hbm>>
      %dma_start3A_759 = arith.constant 0 : i32
      %dma_start3A_760 = arith.constant 0 : i32
      %dma_start3A_761 = tpu.memref_slice %arg6[%dma_start3A_743, %dma_start3A_759, %dma_start3A_760] : memref<4x200x64xf32, #tpu.memory_space<vmem>> -> memref<1x200x64xf32, #tpu.memory_space<vmem>>
      %dma_start3A_762 = tpu.memref_squeeze %dma_start3A_761 : memref<1x200x64xf32, #tpu.memory_space<vmem>> -> memref<200x64xf32, #tpu.memory_space<vmem>>
      %dma_start3A_763 = arith.constant 0 : i32
      %dma_start3A_764 = arith.constant 0 : i32
      %dma_start3A_765 = tpu.memref_slice %dma_start3A_762[%dma_start3A_763, %dma_start3A_764] : memref<200x64xf32, #tpu.memory_space<vmem>> -> memref<50x64xf32, #tpu.memory_space<vmem>>
      tpu.enqueue_dma source(%dma_start3A_765 : memref<50x64xf32, #tpu.memory_space<vmem>>) target(%dma_start3A_758 : memref<50x64xf32, #tpu.memory_space<hbm>>) target_semaphore(%arg13 : memref<!tpu.dma_semaphore, #tpu.memory_space<semaphore_mem>>)
      %mul3A_766 = arith.constant 4 : i32
      %mul3A_767 = arith.muli %add3A_726, %mul3A_766 : i32
      %add3A_768 = arith.addi %mul3A_4, %mul3A_767 : i32
      %add3A_769 = arith.constant 1 : i32
      %add3A_770 = arith.addi %add3A_768, %add3A_769 : i32
      %dma_start3A_771 = arith.constant 2 : i32
      %dma_start3A_772 = arith.constant 0 : i32
      %dma_start3A_773 = arith.constant 0 : i32
      %dma_start3A_774 = tpu.memref_slice %arg6[%dma_start3A_771, %dma_start3A_772, %dma_start3A_773] : memref<4x200x64xf32, #tpu.memory_space<vmem>> -> memref<1x200x64xf32, #tpu.memory_space<vmem>>
      %dma_start3A_775 = tpu.memref_squeeze %dma_start3A_774 : memref<1x200x64xf32, #tpu.memory_space<vmem>> -> memref<200x64xf32, #tpu.memory_space<vmem>>
      %dma_start3A_776 = arith.constant 50 : i32
      %dma_start3A_777 = arith.constant 0 : i32
      %dma_start3A_778 = tpu.memref_slice %dma_start3A_775[%dma_start3A_776, %dma_start3A_777] : memref<200x64xf32, #tpu.memory_space<vmem>> -> memref<50x64xf32, #tpu.memory_space<vmem>>
      %dma_start3A_779 = arith.constant 0 : i32
      %dma_start3A_780 = arith.constant 0 : i32
      %dma_start3A_781 = tpu.memref_slice %arg4[%add3A_770, %dma_start3A_779, %dma_start3A_780] : memref<16384x56x128xf32, #tpu.memory_space<hbm>> -> memref<1x50x64xf32, #tpu.memory_space<hbm>>
      %dma_start3A_782 = tpu.memref_squeeze %dma_start3A_781 : memref<1x50x64xf32, #tpu.memory_space<hbm>> -> memref<50x64xf32, #tpu.memory_space<hbm>>
      %dma_start3A_783 = arith.constant 0 : i32
      %dma_start3A_784 = arith.constant 0 : i32
      %dma_start3A_785 = tpu.memref_slice %arg4[%add3A_770, %dma_start3A_783, %dma_start3A_784] : memref<16384x56x128xf32, #tpu.memory_space<hbm>> -> memref<1x50x64xf32, #tpu.memory_space<hbm>>
      %dma_start3A_786 = tpu.memref_squeeze %dma_start3A_785 : memref<1x50x64xf32, #tpu.memory_space<hbm>> -> memref<50x64xf32, #tpu.memory_space<hbm>>
      %dma_start3A_787 = arith.constant 0 : i32
      %dma_start3A_788 = arith.constant 0 : i32
      %dma_start3A_789 = tpu.memref_slice %arg6[%dma_start3A_771, %dma_start3A_787, %dma_start3A_788] : memref<4x200x64xf32, #tpu.memory_space<vmem>> -> memref<1x200x64xf32, #tpu.memory_space<vmem>>
      %dma_start3A_790 = tpu.memref_squeeze %dma_start3A_789 : memref<1x200x64xf32, #tpu.memory_space<vmem>> -> memref<200x64xf32, #tpu.memory_space<vmem>>
      %dma_start3A_791 = arith.constant 50 : i32
      %dma_start3A_792 = arith.constant 0 : i32
      %dma_start3A_793 = tpu.memref_slice %dma_start3A_790[%dma_start3A_791, %dma_start3A_792] : memref<200x64xf32, #tpu.memory_space<vmem>> -> memref<50x64xf32, #tpu.memory_space<vmem>>
      tpu.enqueue_dma source(%dma_start3A_793 : memref<50x64xf32, #tpu.memory_space<vmem>>) target(%dma_start3A_786 : memref<50x64xf32, #tpu.memory_space<hbm>>) target_semaphore(%arg13 : memref<!tpu.dma_semaphore, #tpu.memory_space<semaphore_mem>>)
      %mul3A_794 = arith.constant 4 : i32
      %mul3A_795 = arith.muli %add3A_726, %mul3A_794 : i32
      %add3A_796 = arith.addi %mul3A_4, %mul3A_795 : i32
      %add3A_797 = arith.constant 2 : i32
      %add3A_798 = arith.addi %add3A_796, %add3A_797 : i32
      %dma_start3A_799 = arith.constant 2 : i32
      %dma_start3A_800 = arith.constant 0 : i32
      %dma_start3A_801 = arith.constant 0 : i32
      %dma_start3A_802 = tpu.memref_slice %arg6[%dma_start3A_799, %dma_start3A_800, %dma_start3A_801] : memref<4x200x64xf32, #tpu.memory_space<vmem>> -> memref<1x200x64xf32, #tpu.memory_space<vmem>>
      %dma_start3A_803 = tpu.memref_squeeze %dma_start3A_802 : memref<1x200x64xf32, #tpu.memory_space<vmem>> -> memref<200x64xf32, #tpu.memory_space<vmem>>
      %dma_start3A_804 = arith.constant 100 : i32
      %dma_start3A_805 = arith.constant 0 : i32
      %dma_start3A_806 = tpu.memref_slice %dma_start3A_803[%dma_start3A_804, %dma_start3A_805] : memref<200x64xf32, #tpu.memory_space<vmem>> -> memref<50x64xf32, #tpu.memory_space<vmem>>
      %dma_start3A_807 = arith.constant 0 : i32
      %dma_start3A_808 = arith.constant 0 : i32
      %dma_start3A_809 = tpu.memref_slice %arg4[%add3A_798, %dma_start3A_807, %dma_start3A_808] : memref<16384x56x128xf32, #tpu.memory_space<hbm>> -> memref<1x50x64xf32, #tpu.memory_space<hbm>>
      %dma_start3A_810 = tpu.memref_squeeze %dma_start3A_809 : memref<1x50x64xf32, #tpu.memory_space<hbm>> -> memref<50x64xf32, #tpu.memory_space<hbm>>
      %dma_start3A_811 = arith.constant 0 : i32
      %dma_start3A_812 = arith.constant 0 : i32
      %dma_start3A_813 = tpu.memref_slice %arg4[%add3A_798, %dma_start3A_811, %dma_start3A_812] : memref<16384x56x128xf32, #tpu.memory_space<hbm>> -> memref<1x50x64xf32, #tpu.memory_space<hbm>>
      %dma_start3A_814 = tpu.memref_squeeze %dma_start3A_813 : memref<1x50x64xf32, #tpu.memory_space<hbm>> -> memref<50x64xf32, #tpu.memory_space<hbm>>
      %dma_start3A_815 = arith.constant 0 : i32
      %dma_start3A_816 = arith.constant 0 : i32
      %dma_start3A_817 = tpu.memref_slice %arg6[%dma_start3A_799, %dma_start3A_815, %dma_start3A_816] : memref<4x200x64xf32, #tpu.memory_space<vmem>> -> memref<1x200x64xf32, #tpu.memory_space<vmem>>
      %dma_start3A_818 = tpu.memref_squeeze %dma_start3A_817 : memref<1x200x64xf32, #tpu.memory_space<vmem>> -> memref<200x64xf32, #tpu.memory_space<vmem>>
      %dma_start3A_819 = arith.constant 100 : i32
      %dma_start3A_820 = arith.constant 0 : i32
      %dma_start3A_821 = tpu.memref_slice %dma_start3A_818[%dma_start3A_819, %dma_start3A_820] : memref<200x64xf32, #tpu.memory_space<vmem>> -> memref<50x64xf32, #tpu.memory_space<vmem>>
      tpu.enqueue_dma source(%dma_start3A_821 : memref<50x64xf32, #tpu.memory_space<vmem>>) target(%dma_start3A_814 : memref<50x64xf32, #tpu.memory_space<hbm>>) target_semaphore(%arg13 : memref<!tpu.dma_semaphore, #tpu.memory_space<semaphore_mem>>)
      %mul3A_822 = arith.constant 4 : i32
      %mul3A_823 = arith.muli %add3A_726, %mul3A_822 : i32
      %add3A_824 = arith.addi %mul3A_4, %mul3A_823 : i32
      %add3A_825 = arith.constant 3 : i32
      %add3A_826 = arith.addi %add3A_824, %add3A_825 : i32
      %dma_start3A_827 = arith.constant 2 : i32
      %dma_start3A_828 = arith.constant 0 : i32
      %dma_start3A_829 = arith.constant 0 : i32
      %dma_start3A_830 = tpu.memref_slice %arg6[%dma_start3A_827, %dma_start3A_828, %dma_start3A_829] : memref<4x200x64xf32, #tpu.memory_space<vmem>> -> memref<1x200x64xf32, #tpu.memory_space<vmem>>
      %dma_start3A_831 = tpu.memref_squeeze %dma_start3A_830 : memref<1x200x64xf32, #tpu.memory_space<vmem>> -> memref<200x64xf32, #tpu.memory_space<vmem>>
      %dma_start3A_832 = arith.constant 150 : i32
      %dma_start3A_833 = arith.constant 0 : i32
      %dma_start3A_834 = tpu.memref_slice %dma_start3A_831[%dma_start3A_832, %dma_start3A_833] : memref<200x64xf32, #tpu.memory_space<vmem>> -> memref<50x64xf32, #tpu.memory_space<vmem>>
      %dma_start3A_835 = arith.constant 0 : i32
      %dma_start3A_836 = arith.constant 0 : i32
      %dma_start3A_837 = tpu.memref_slice %arg4[%add3A_826, %dma_start3A_835, %dma_start3A_836] : memref<16384x56x128xf32, #tpu.memory_space<hbm>> -> memref<1x50x64xf32, #tpu.memory_space<hbm>>
      %dma_start3A_838 = tpu.memref_squeeze %dma_start3A_837 : memref<1x50x64xf32, #tpu.memory_space<hbm>> -> memref<50x64xf32, #tpu.memory_space<hbm>>
      %dma_start3A_839 = arith.constant 0 : i32
      %dma_start3A_840 = arith.constant 0 : i32
      %dma_start3A_841 = tpu.memref_slice %arg4[%add3A_826, %dma_start3A_839, %dma_start3A_840] : memref<16384x56x128xf32, #tpu.memory_space<hbm>> -> memref<1x50x64xf32, #tpu.memory_space<hbm>>
      %dma_start3A_842 = tpu.memref_squeeze %dma_start3A_841 : memref<1x50x64xf32, #tpu.memory_space<hbm>> -> memref<50x64xf32, #tpu.memory_space<hbm>>
      %dma_start3A_843 = arith.constant 0 : i32
      %dma_start3A_844 = arith.constant 0 : i32
      %dma_start3A_845 = tpu.memref_slice %arg6[%dma_start3A_827, %dma_start3A_843, %dma_start3A_844] : memref<4x200x64xf32, #tpu.memory_space<vmem>> -> memref<1x200x64xf32, #tpu.memory_space<vmem>>
      %dma_start3A_846 = tpu.memref_squeeze %dma_start3A_845 : memref<1x200x64xf32, #tpu.memory_space<vmem>> -> memref<200x64xf32, #tpu.memory_space<vmem>>
      %dma_start3A_847 = arith.constant 150 : i32
      %dma_start3A_848 = arith.constant 0 : i32
      %dma_start3A_849 = tpu.memref_slice %dma_start3A_846[%dma_start3A_847, %dma_start3A_848] : memref<200x64xf32, #tpu.memory_space<vmem>> -> memref<50x64xf32, #tpu.memory_space<vmem>>
      tpu.enqueue_dma source(%dma_start3A_849 : memref<50x64xf32, #tpu.memory_space<vmem>>) target(%dma_start3A_842 : memref<50x64xf32, #tpu.memory_space<hbm>>) target_semaphore(%arg13 : memref<!tpu.dma_semaphore, #tpu.memory_space<semaphore_mem>>)
      %add3A_850 = arith.constant 2 : i32
      %add3A_851 = arith.addi %add3A_726, %add3A_850 : i32
      %lt3A_852 = arith.constant 128 : i32
      %lt3A_853 = arith.cmpi slt, %add3A_851, %lt3A_852 : i32
      %convert_element_type3A_854 = arith.extui %lt3A_853 : i1 to i32
      %cond3A_855 = arith.constant 0 : i32
      %cond3A_856 = arith.cmpi ne, %convert_element_type3A_854, %cond3A_855 : i32
      scf.if %cond3A_856 {
        %ge3A = arith.constant 2 : i32
        %ge3A_989 = arith.cmpi sge, %add3A_726, %ge3A : i32
        %convert_element_type3A_990 = arith.extui %ge3A_989 : i1 to i32
        %cond3A_991 = arith.constant 0 : i32
        %cond3A_992 = arith.cmpi ne, %convert_element_type3A_990, %cond3A_991 : i32
        scf.if %cond3A_992 {
          %sub3A = arith.constant 2 : i32
          %sub3A_1006 = arith.subi %add3A_726, %sub3A : i32
          %mul3A_1007 = arith.constant 4 : i32
          %mul3A_1008 = arith.muli %sub3A_1006, %mul3A_1007 : i32
          %add3A_1009 = arith.addi %mul3A_4, %mul3A_1008 : i32
          %add3A_1010 = arith.constant 0 : i32
          %add3A_1011 = arith.addi %add3A_1009, %add3A_1010 : i32
          %dma_wait3A_1012 = arith.constant 0 : i32
          %dma_wait3A_1013 = arith.constant 0 : i32
          %dma_wait3A_1014 = arith.constant 0 : i32
          %dma_wait3A_1015 = tpu.memref_slice %arg6[%dma_wait3A_1012, %dma_wait3A_1013, %dma_wait3A_1014] : memref<4x200x64xf32, #tpu.memory_space<vmem>> -> memref<1x200x64xf32, #tpu.memory_space<vmem>>
          %dma_wait3A_1016 = tpu.memref_squeeze %dma_wait3A_1015 : memref<1x200x64xf32, #tpu.memory_space<vmem>> -> memref<200x64xf32, #tpu.memory_space<vmem>>
          %dma_wait3A_1017 = arith.constant 0 : i32
          %dma_wait3A_1018 = arith.constant 0 : i32
          %dma_wait3A_1019 = tpu.memref_slice %dma_wait3A_1016[%dma_wait3A_1017, %dma_wait3A_1018] : memref<200x64xf32, #tpu.memory_space<vmem>> -> memref<50x64xf32, #tpu.memory_space<vmem>>
          %dma_wait3A_1020 = arith.constant 0 : i32
          %dma_wait3A_1021 = arith.constant 0 : i32
          %dma_wait3A_1022 = tpu.memref_slice %arg4[%add3A_1011, %dma_wait3A_1020, %dma_wait3A_1021] : memref<16384x56x128xf32, #tpu.memory_space<hbm>> -> memref<1x50x64xf32, #tpu.memory_space<hbm>>
          %dma_wait3A_1023 = tpu.memref_squeeze %dma_wait3A_1022 : memref<1x50x64xf32, #tpu.memory_space<hbm>> -> memref<50x64xf32, #tpu.memory_space<hbm>>
          %dma_wait3A_1024 = arith.constant 0 : i32
          %dma_wait3A_1025 = arith.constant 0 : i32
          %dma_wait3A_1026 = tpu.memref_slice %arg4[%add3A_1011, %dma_wait3A_1024, %dma_wait3A_1025] : memref<16384x56x128xf32, #tpu.memory_space<hbm>> -> memref<1x50x64xf32, #tpu.memory_space<hbm>>
          %dma_wait3A_1027 = tpu.memref_squeeze %dma_wait3A_1026 : memref<1x50x64xf32, #tpu.memory_space<hbm>> -> memref<50x64xf32, #tpu.memory_space<hbm>>
          %dma_wait3A_1028 = arith.constant 0 : i32
          %dma_wait3A_1029 = arith.constant 0 : i32
          %dma_wait3A_1030 = tpu.memref_slice %arg6[%dma_wait3A_1012, %dma_wait3A_1028, %dma_wait3A_1029] : memref<4x200x64xf32, #tpu.memory_space<vmem>> -> memref<1x200x64xf32, #tpu.memory_space<vmem>>
          %dma_wait3A_1031 = tpu.memref_squeeze %dma_wait3A_1030 : memref<1x200x64xf32, #tpu.memory_space<vmem>> -> memref<200x64xf32, #tpu.memory_space<vmem>>
          %dma_wait3A_1032 = arith.constant 0 : i32
          %dma_wait3A_1033 = arith.constant 0 : i32
          %dma_wait3A_1034 = tpu.memref_slice %dma_wait3A_1031[%dma_wait3A_1032, %dma_wait3A_1033] : memref<200x64xf32, #tpu.memory_space<vmem>> -> memref<50x64xf32, #tpu.memory_space<vmem>>
          tpu.wait_dma2 semaphore(%arg11 : memref<!tpu.dma_semaphore, #tpu.memory_space<semaphore_mem>>) src(%dma_wait3A_1034 : memref<50x64xf32, #tpu.memory_space<vmem>>) dst(%dma_wait3A_1027 : memref<50x64xf32, #tpu.memory_space<hbm>>)
          %mul3A_1035 = arith.constant 4 : i32
          %mul3A_1036 = arith.muli %sub3A_1006, %mul3A_1035 : i32
          %add3A_1037 = arith.addi %mul3A_4, %mul3A_1036 : i32
          %add3A_1038 = arith.constant 1 : i32
          %add3A_1039 = arith.addi %add3A_1037, %add3A_1038 : i32
          %dma_wait3A_1040 = arith.constant 0 : i32
          %dma_wait3A_1041 = arith.constant 0 : i32
          %dma_wait3A_1042 = arith.constant 0 : i32
          %dma_wait3A_1043 = tpu.memref_slice %arg6[%dma_wait3A_1040, %dma_wait3A_1041, %dma_wait3A_1042] : memref<4x200x64xf32, #tpu.memory_space<vmem>> -> memref<1x200x64xf32, #tpu.memory_space<vmem>>
          %dma_wait3A_1044 = tpu.memref_squeeze %dma_wait3A_1043 : memref<1x200x64xf32, #tpu.memory_space<vmem>> -> memref<200x64xf32, #tpu.memory_space<vmem>>
          %dma_wait3A_1045 = arith.constant 50 : i32
          %dma_wait3A_1046 = arith.constant 0 : i32
          %dma_wait3A_1047 = tpu.memref_slice %dma_wait3A_1044[%dma_wait3A_1045, %dma_wait3A_1046] : memref<200x64xf32, #tpu.memory_space<vmem>> -> memref<50x64xf32, #tpu.memory_space<vmem>>
          %dma_wait3A_1048 = arith.constant 0 : i32
          %dma_wait3A_1049 = arith.constant 0 : i32
          %dma_wait3A_1050 = tpu.memref_slice %arg4[%add3A_1039, %dma_wait3A_1048, %dma_wait3A_1049] : memref<16384x56x128xf32, #tpu.memory_space<hbm>> -> memref<1x50x64xf32, #tpu.memory_space<hbm>>
          %dma_wait3A_1051 = tpu.memref_squeeze %dma_wait3A_1050 : memref<1x50x64xf32, #tpu.memory_space<hbm>> -> memref<50x64xf32, #tpu.memory_space<hbm>>
          %dma_wait3A_1052 = arith.constant 0 : i32
          %dma_wait3A_1053 = arith.constant 0 : i32
          %dma_wait3A_1054 = tpu.memref_slice %arg4[%add3A_1039, %dma_wait3A_1052, %dma_wait3A_1053] : memref<16384x56x128xf32, #tpu.memory_space<hbm>> -> memref<1x50x64xf32, #tpu.memory_space<hbm>>
          %dma_wait3A_1055 = tpu.memref_squeeze %dma_wait3A_1054 : memref<1x50x64xf32, #tpu.memory_space<hbm>> -> memref<50x64xf32, #tpu.memory_space<hbm>>
          %dma_wait3A_1056 = arith.constant 0 : i32
          %dma_wait3A_1057 = arith.constant 0 : i32
          %dma_wait3A_1058 = tpu.memref_slice %arg6[%dma_wait3A_1040, %dma_wait3A_1056, %dma_wait3A_1057] : memref<4x200x64xf32, #tpu.memory_space<vmem>> -> memref<1x200x64xf32, #tpu.memory_space<vmem>>
          %dma_wait3A_1059 = tpu.memref_squeeze %dma_wait3A_1058 : memref<1x200x64xf32, #tpu.memory_space<vmem>> -> memref<200x64xf32, #tpu.memory_space<vmem>>
          %dma_wait3A_1060 = arith.constant 50 : i32
          %dma_wait3A_1061 = arith.constant 0 : i32
          %dma_wait3A_1062 = tpu.memref_slice %dma_wait3A_1059[%dma_wait3A_1060, %dma_wait3A_1061] : memref<200x64xf32, #tpu.memory_space<vmem>> -> memref<50x64xf32, #tpu.memory_space<vmem>>
          tpu.wait_dma2 semaphore(%arg11 : memref<!tpu.dma_semaphore, #tpu.memory_space<semaphore_mem>>) src(%dma_wait3A_1062 : memref<50x64xf32, #tpu.memory_space<vmem>>) dst(%dma_wait3A_1055 : memref<50x64xf32, #tpu.memory_space<hbm>>)
          %mul3A_1063 = arith.constant 4 : i32
          %mul3A_1064 = arith.muli %sub3A_1006, %mul3A_1063 : i32
          %add3A_1065 = arith.addi %mul3A_4, %mul3A_1064 : i32
          %add3A_1066 = arith.constant 2 : i32
          %add3A_1067 = arith.addi %add3A_1065, %add3A_1066 : i32
          %dma_wait3A_1068 = arith.constant 0 : i32
          %dma_wait3A_1069 = arith.constant 0 : i32
          %dma_wait3A_1070 = arith.constant 0 : i32
          %dma_wait3A_1071 = tpu.memref_slice %arg6[%dma_wait3A_1068, %dma_wait3A_1069, %dma_wait3A_1070] : memref<4x200x64xf32, #tpu.memory_space<vmem>> -> memref<1x200x64xf32, #tpu.memory_space<vmem>>
          %dma_wait3A_1072 = tpu.memref_squeeze %dma_wait3A_1071 : memref<1x200x64xf32, #tpu.memory_space<vmem>> -> memref<200x64xf32, #tpu.memory_space<vmem>>
          %dma_wait3A_1073 = arith.constant 100 : i32
          %dma_wait3A_1074 = arith.constant 0 : i32
          %dma_wait3A_1075 = tpu.memref_slice %dma_wait3A_1072[%dma_wait3A_1073, %dma_wait3A_1074] : memref<200x64xf32, #tpu.memory_space<vmem>> -> memref<50x64xf32, #tpu.memory_space<vmem>>
          %dma_wait3A_1076 = arith.constant 0 : i32
          %dma_wait3A_1077 = arith.constant 0 : i32
          %dma_wait3A_1078 = tpu.memref_slice %arg4[%add3A_1067, %dma_wait3A_1076, %dma_wait3A_1077] : memref<16384x56x128xf32, #tpu.memory_space<hbm>> -> memref<1x50x64xf32, #tpu.memory_space<hbm>>
          %dma_wait3A_1079 = tpu.memref_squeeze %dma_wait3A_1078 : memref<1x50x64xf32, #tpu.memory_space<hbm>> -> memref<50x64xf32, #tpu.memory_space<hbm>>
          %dma_wait3A_1080 = arith.constant 0 : i32
          %dma_wait3A_1081 = arith.constant 0 : i32
          %dma_wait3A_1082 = tpu.memref_slice %arg4[%add3A_1067, %dma_wait3A_1080, %dma_wait3A_1081] : memref<16384x56x128xf32, #tpu.memory_space<hbm>> -> memref<1x50x64xf32, #tpu.memory_space<hbm>>
          %dma_wait3A_1083 = tpu.memref_squeeze %dma_wait3A_1082 : memref<1x50x64xf32, #tpu.memory_space<hbm>> -> memref<50x64xf32, #tpu.memory_space<hbm>>
          %dma_wait3A_1084 = arith.constant 0 : i32
          %dma_wait3A_1085 = arith.constant 0 : i32
          %dma_wait3A_1086 = tpu.memref_slice %arg6[%dma_wait3A_1068, %dma_wait3A_1084, %dma_wait3A_1085] : memref<4x200x64xf32, #tpu.memory_space<vmem>> -> memref<1x200x64xf32, #tpu.memory_space<vmem>>
          %dma_wait3A_1087 = tpu.memref_squeeze %dma_wait3A_1086 : memref<1x200x64xf32, #tpu.memory_space<vmem>> -> memref<200x64xf32, #tpu.memory_space<vmem>>
          %dma_wait3A_1088 = arith.constant 100 : i32
          %dma_wait3A_1089 = arith.constant 0 : i32
          %dma_wait3A_1090 = tpu.memref_slice %dma_wait3A_1087[%dma_wait3A_1088, %dma_wait3A_1089] : memref<200x64xf32, #tpu.memory_space<vmem>> -> memref<50x64xf32, #tpu.memory_space<vmem>>
          tpu.wait_dma2 semaphore(%arg11 : memref<!tpu.dma_semaphore, #tpu.memory_space<semaphore_mem>>) src(%dma_wait3A_1090 : memref<50x64xf32, #tpu.memory_space<vmem>>) dst(%dma_wait3A_1083 : memref<50x64xf32, #tpu.memory_space<hbm>>)
          %mul3A_1091 = arith.constant 4 : i32
          %mul3A_1092 = arith.muli %sub3A_1006, %mul3A_1091 : i32
          %add3A_1093 = arith.addi %mul3A_4, %mul3A_1092 : i32
          %add3A_1094 = arith.constant 3 : i32
          %add3A_1095 = arith.addi %add3A_1093, %add3A_1094 : i32
          %dma_wait3A_1096 = arith.constant 0 : i32
          %dma_wait3A_1097 = arith.constant 0 : i32
          %dma_wait3A_1098 = arith.constant 0 : i32
          %dma_wait3A_1099 = tpu.memref_slice %arg6[%dma_wait3A_1096, %dma_wait3A_1097, %dma_wait3A_1098] : memref<4x200x64xf32, #tpu.memory_space<vmem>> -> memref<1x200x64xf32, #tpu.memory_space<vmem>>
          %dma_wait3A_1100 = tpu.memref_squeeze %dma_wait3A_1099 : memref<1x200x64xf32, #tpu.memory_space<vmem>> -> memref<200x64xf32, #tpu.memory_space<vmem>>
          %dma_wait3A_1101 = arith.constant 150 : i32
          %dma_wait3A_1102 = arith.constant 0 : i32
          %dma_wait3A_1103 = tpu.memref_slice %dma_wait3A_1100[%dma_wait3A_1101, %dma_wait3A_1102] : memref<200x64xf32, #tpu.memory_space<vmem>> -> memref<50x64xf32, #tpu.memory_space<vmem>>
          %dma_wait3A_1104 = arith.constant 0 : i32
          %dma_wait3A_1105 = arith.constant 0 : i32
          %dma_wait3A_1106 = tpu.memref_slice %arg4[%add3A_1095, %dma_wait3A_1104, %dma_wait3A_1105] : memref<16384x56x128xf32, #tpu.memory_space<hbm>> -> memref<1x50x64xf32, #tpu.memory_space<hbm>>
          %dma_wait3A_1107 = tpu.memref_squeeze %dma_wait3A_1106 : memref<1x50x64xf32, #tpu.memory_space<hbm>> -> memref<50x64xf32, #tpu.memory_space<hbm>>
          %dma_wait3A_1108 = arith.constant 0 : i32
          %dma_wait3A_1109 = arith.constant 0 : i32
          %dma_wait3A_1110 = tpu.memref_slice %arg4[%add3A_1095, %dma_wait3A_1108, %dma_wait3A_1109] : memref<16384x56x128xf32, #tpu.memory_space<hbm>> -> memref<1x50x64xf32, #tpu.memory_space<hbm>>
          %dma_wait3A_1111 = tpu.memref_squeeze %dma_wait3A_1110 : memref<1x50x64xf32, #tpu.memory_space<hbm>> -> memref<50x64xf32, #tpu.memory_space<hbm>>
          %dma_wait3A_1112 = arith.constant 0 : i32
          %dma_wait3A_1113 = arith.constant 0 : i32
          %dma_wait3A_1114 = tpu.memref_slice %arg6[%dma_wait3A_1096, %dma_wait3A_1112, %dma_wait3A_1113] : memref<4x200x64xf32, #tpu.memory_space<vmem>> -> memref<1x200x64xf32, #tpu.memory_space<vmem>>
          %dma_wait3A_1115 = tpu.memref_squeeze %dma_wait3A_1114 : memref<1x200x64xf32, #tpu.memory_space<vmem>> -> memref<200x64xf32, #tpu.memory_space<vmem>>
          %dma_wait3A_1116 = arith.constant 150 : i32
          %dma_wait3A_1117 = arith.constant 0 : i32
          %dma_wait3A_1118 = tpu.memref_slice %dma_wait3A_1115[%dma_wait3A_1116, %dma_wait3A_1117] : memref<200x64xf32, #tpu.memory_space<vmem>> -> memref<50x64xf32, #tpu.memory_space<vmem>>
          tpu.wait_dma2 semaphore(%arg11 : memref<!tpu.dma_semaphore, #tpu.memory_space<semaphore_mem>>) src(%dma_wait3A_1118 : memref<50x64xf32, #tpu.memory_space<vmem>>) dst(%dma_wait3A_1111 : memref<50x64xf32, #tpu.memory_space<hbm>>)
        } else {
        }
        %add3A_993 = arith.constant 2 : i32
        %add3A_994 = arith.addi %add3A_726, %add3A_993 : i32
        %mul3A_995 = arith.constant 200 : i32
        %mul3A_996 = arith.muli %add3A_994, %mul3A_995 : i32
        %dma_start3A_997 = arith.constant 0 : i32
        %dma_start3A_998 = arith.constant 0 : i32
        %dma_start3A_999 = arith.constant 0 : i32
        %dma_start3A_1000 = tpu.memref_slice %arg6[%dma_start3A_997, %dma_start3A_998, %dma_start3A_999] : memref<4x200x64xf32, #tpu.memory_space<vmem>> -> memref<1x200x64xf32, #tpu.memory_space<vmem>>
        %dma_start3A_1001 = tpu.memref_squeeze %dma_start3A_1000 : memref<1x200x64xf32, #tpu.memory_space<vmem>> -> memref<200x64xf32, #tpu.memory_space<vmem>>
        %dma_start3A_1002 = tpu.memref_slice %arg5[%mul3A_996] : memref<25600xi32, #tpu.memory_space<vmem>> -> memref<200xi32, #tpu.memory_space<vmem>>
        %dma_start3A_1003 = arith.constant 0 : i32
        %dma_start3A_1004 = arith.constant 0 : i32
        %dma_start3A_1005 = tpu.memref_slice %arg3[%dma_start3A_1003, %dma_start3A_1004] : memref<1000000x64xf32, #tpu.memory_space<hbm>> -> memref<1000000x64xf32, #tpu.memory_space<hbm>>
        tpu.enqueue_indirect_dma source(%dma_start3A_1005 : memref<1000000x64xf32, #tpu.memory_space<hbm>>) target(%dma_start3A_1001 : memref<200x64xf32, #tpu.memory_space<vmem>>) offsets(%dma_start3A_1002 : memref<200xi32, #tpu.memory_space<vmem>>) semaphore(%arg7 : memref<!tpu.dma_semaphore, #tpu.memory_space<semaphore_mem>>)
      } else {
      }
      %add3A_857 = arith.constant 3 : i32
      %add3A_858 = arith.addi %add3A_463, %add3A_857 : i32
      %mul3A_859 = arith.constant 200 : i32
      %mul3A_860 = arith.muli %add3A_858, %mul3A_859 : i32
      %dma_wait3A_861 = arith.constant 3 : i32
      %dma_wait3A_862 = arith.constant 0 : i32
      %dma_wait3A_863 = arith.constant 0 : i32
      %dma_wait3A_864 = tpu.memref_slice %arg6[%dma_wait3A_861, %dma_wait3A_862, %dma_wait3A_863] : memref<4x200x64xf32, #tpu.memory_space<vmem>> -> memref<1x200x64xf32, #tpu.memory_space<vmem>>
      %dma_wait3A_865 = tpu.memref_squeeze %dma_wait3A_864 : memref<1x200x64xf32, #tpu.memory_space<vmem>> -> memref<200x64xf32, #tpu.memory_space<vmem>>
      %dma_wait3A_866 = tpu.memref_slice %arg5[%mul3A_860] : memref<25600xi32, #tpu.memory_space<vmem>> -> memref<200xi32, #tpu.memory_space<vmem>>
      %dma_wait3A_867 = arith.constant 0 : i32
      %dma_wait3A_868 = arith.constant 0 : i32
      %dma_wait3A_869 = tpu.memref_slice %arg3[%dma_wait3A_867, %dma_wait3A_868] : memref<1000000x64xf32, #tpu.memory_space<hbm>> -> memref<1000000x64xf32, #tpu.memory_space<hbm>>
      tpu.wait_indirect_dma semaphore(%arg10 : memref<!tpu.dma_semaphore, #tpu.memory_space<semaphore_mem>>) src(%dma_wait3A_869 : memref<1000000x64xf32, #tpu.memory_space<hbm>>) dst(%dma_wait3A_865 : memref<200x64xf32, #tpu.memory_space<vmem>>)
      %mul3A_870 = arith.constant 4 : i32
      %mul3A_871 = arith.muli %add3A_858, %mul3A_870 : i32
      %add3A_872 = arith.addi %mul3A_4, %mul3A_871 : i32
      %add3A_873 = arith.constant 0 : i32
      %add3A_874 = arith.addi %add3A_872, %add3A_873 : i32
      %dma_start3A_875 = arith.constant 3 : i32
      %dma_start3A_876 = arith.constant 0 : i32
      %dma_start3A_877 = arith.constant 0 : i32
      %dma_start3A_878 = tpu.memref_slice %arg6[%dma_start3A_875, %dma_start3A_876, %dma_start3A_877] : memref<4x200x64xf32, #tpu.memory_space<vmem>> -> memref<1x200x64xf32, #tpu.memory_space<vmem>>
      %dma_start3A_879 = tpu.memref_squeeze %dma_start3A_878 : memref<1x200x64xf32, #tpu.memory_space<vmem>> -> memref<200x64xf32, #tpu.memory_space<vmem>>
      %dma_start3A_880 = arith.constant 0 : i32
      %dma_start3A_881 = arith.constant 0 : i32
      %dma_start3A_882 = tpu.memref_slice %dma_start3A_879[%dma_start3A_880, %dma_start3A_881] : memref<200x64xf32, #tpu.memory_space<vmem>> -> memref<50x64xf32, #tpu.memory_space<vmem>>
      %dma_start3A_883 = arith.constant 0 : i32
      %dma_start3A_884 = arith.constant 0 : i32
      %dma_start3A_885 = tpu.memref_slice %arg4[%add3A_874, %dma_start3A_883, %dma_start3A_884] : memref<16384x56x128xf32, #tpu.memory_space<hbm>> -> memref<1x50x64xf32, #tpu.memory_space<hbm>>
      %dma_start3A_886 = tpu.memref_squeeze %dma_start3A_885 : memref<1x50x64xf32, #tpu.memory_space<hbm>> -> memref<50x64xf32, #tpu.memory_space<hbm>>
      %dma_start3A_887 = arith.constant 0 : i32
      %dma_start3A_888 = arith.constant 0 : i32
      %dma_start3A_889 = tpu.memref_slice %arg4[%add3A_874, %dma_start3A_887, %dma_start3A_888] : memref<16384x56x128xf32, #tpu.memory_space<hbm>> -> memref<1x50x64xf32, #tpu.memory_space<hbm>>
      %dma_start3A_890 = tpu.memref_squeeze %dma_start3A_889 : memref<1x50x64xf32, #tpu.memory_space<hbm>> -> memref<50x64xf32, #tpu.memory_space<hbm>>
      %dma_start3A_891 = arith.constant 0 : i32
      %dma_start3A_892 = arith.constant 0 : i32
      %dma_start3A_893 = tpu.memref_slice %arg6[%dma_start3A_875, %dma_start3A_891, %dma_start3A_892] : memref<4x200x64xf32, #tpu.memory_space<vmem>> -> memref<1x200x64xf32, #tpu.memory_space<vmem>>
      %dma_start3A_894 = tpu.memref_squeeze %dma_start3A_893 : memref<1x200x64xf32, #tpu.memory_space<vmem>> -> memref<200x64xf32, #tpu.memory_space<vmem>>
      %dma_start3A_895 = arith.constant 0 : i32
      %dma_start3A_896 = arith.constant 0 : i32
      %dma_start3A_897 = tpu.memref_slice %dma_start3A_894[%dma_start3A_895, %dma_start3A_896] : memref<200x64xf32, #tpu.memory_space<vmem>> -> memref<50x64xf32, #tpu.memory_space<vmem>>
      tpu.enqueue_dma source(%dma_start3A_897 : memref<50x64xf32, #tpu.memory_space<vmem>>) target(%dma_start3A_890 : memref<50x64xf32, #tpu.memory_space<hbm>>) target_semaphore(%arg14 : memref<!tpu.dma_semaphore, #tpu.memory_space<semaphore_mem>>)
      %mul3A_898 = arith.constant 4 : i32
      %mul3A_899 = arith.muli %add3A_858, %mul3A_898 : i32
      %add3A_900 = arith.addi %mul3A_4, %mul3A_899 : i32
      %add3A_901 = arith.constant 1 : i32
      %add3A_902 = arith.addi %add3A_900, %add3A_901 : i32
      %dma_start3A_903 = arith.constant 3 : i32
      %dma_start3A_904 = arith.constant 0 : i32
      %dma_start3A_905 = arith.constant 0 : i32
      %dma_start3A_906 = tpu.memref_slice %arg6[%dma_start3A_903, %dma_start3A_904, %dma_start3A_905] : memref<4x200x64xf32, #tpu.memory_space<vmem>> -> memref<1x200x64xf32, #tpu.memory_space<vmem>>
      %dma_start3A_907 = tpu.memref_squeeze %dma_start3A_906 : memref<1x200x64xf32, #tpu.memory_space<vmem>> -> memref<200x64xf32, #tpu.memory_space<vmem>>
      %dma_start3A_908 = arith.constant 50 : i32
      %dma_start3A_909 = arith.constant 0 : i32
      %dma_start3A_910 = tpu.memref_slice %dma_start3A_907[%dma_start3A_908, %dma_start3A_909] : memref<200x64xf32, #tpu.memory_space<vmem>> -> memref<50x64xf32, #tpu.memory_space<vmem>>
      %dma_start3A_911 = arith.constant 0 : i32
      %dma_start3A_912 = arith.constant 0 : i32
      %dma_start3A_913 = tpu.memref_slice %arg4[%add3A_902, %dma_start3A_911, %dma_start3A_912] : memref<16384x56x128xf32, #tpu.memory_space<hbm>> -> memref<1x50x64xf32, #tpu.memory_space<hbm>>
      %dma_start3A_914 = tpu.memref_squeeze %dma_start3A_913 : memref<1x50x64xf32, #tpu.memory_space<hbm>> -> memref<50x64xf32, #tpu.memory_space<hbm>>
      %dma_start3A_915 = arith.constant 0 : i32
      %dma_start3A_916 = arith.constant 0 : i32
      %dma_start3A_917 = tpu.memref_slice %arg4[%add3A_902, %dma_start3A_915, %dma_start3A_916] : memref<16384x56x128xf32, #tpu.memory_space<hbm>> -> memref<1x50x64xf32, #tpu.memory_space<hbm>>
      %dma_start3A_918 = tpu.memref_squeeze %dma_start3A_917 : memref<1x50x64xf32, #tpu.memory_space<hbm>> -> memref<50x64xf32, #tpu.memory_space<hbm>>
      %dma_start3A_919 = arith.constant 0 : i32
      %dma_start3A_920 = arith.constant 0 : i32
      %dma_start3A_921 = tpu.memref_slice %arg6[%dma_start3A_903, %dma_start3A_919, %dma_start3A_920] : memref<4x200x64xf32, #tpu.memory_space<vmem>> -> memref<1x200x64xf32, #tpu.memory_space<vmem>>
      %dma_start3A_922 = tpu.memref_squeeze %dma_start3A_921 : memref<1x200x64xf32, #tpu.memory_space<vmem>> -> memref<200x64xf32, #tpu.memory_space<vmem>>
      %dma_start3A_923 = arith.constant 50 : i32
      %dma_start3A_924 = arith.constant 0 : i32
      %dma_start3A_925 = tpu.memref_slice %dma_start3A_922[%dma_start3A_923, %dma_start3A_924] : memref<200x64xf32, #tpu.memory_space<vmem>> -> memref<50x64xf32, #tpu.memory_space<vmem>>
      tpu.enqueue_dma source(%dma_start3A_925 : memref<50x64xf32, #tpu.memory_space<vmem>>) target(%dma_start3A_918 : memref<50x64xf32, #tpu.memory_space<hbm>>) target_semaphore(%arg14 : memref<!tpu.dma_semaphore, #tpu.memory_space<semaphore_mem>>)
      %mul3A_926 = arith.constant 4 : i32
      %mul3A_927 = arith.muli %add3A_858, %mul3A_926 : i32
      %add3A_928 = arith.addi %mul3A_4, %mul3A_927 : i32
      %add3A_929 = arith.constant 2 : i32
      %add3A_930 = arith.addi %add3A_928, %add3A_929 : i32
      %dma_start3A_931 = arith.constant 3 : i32
      %dma_start3A_932 = arith.constant 0 : i32
      %dma_start3A_933 = arith.constant 0 : i32
      %dma_start3A_934 = tpu.memref_slice %arg6[%dma_start3A_931, %dma_start3A_932, %dma_start3A_933] : memref<4x200x64xf32, #tpu.memory_space<vmem>> -> memref<1x200x64xf32, #tpu.memory_space<vmem>>
      %dma_start3A_935 = tpu.memref_squeeze %dma_start3A_934 : memref<1x200x64xf32, #tpu.memory_space<vmem>> -> memref<200x64xf32, #tpu.memory_space<vmem>>
      %dma_start3A_936 = arith.constant 100 : i32
      %dma_start3A_937 = arith.constant 0 : i32
      %dma_start3A_938 = tpu.memref_slice %dma_start3A_935[%dma_start3A_936, %dma_start3A_937] : memref<200x64xf32, #tpu.memory_space<vmem>> -> memref<50x64xf32, #tpu.memory_space<vmem>>
      %dma_start3A_939 = arith.constant 0 : i32
      %dma_start3A_940 = arith.constant 0 : i32
      %dma_start3A_941 = tpu.memref_slice %arg4[%add3A_930, %dma_start3A_939, %dma_start3A_940] : memref<16384x56x128xf32, #tpu.memory_space<hbm>> -> memref<1x50x64xf32, #tpu.memory_space<hbm>>
      %dma_start3A_942 = tpu.memref_squeeze %dma_start3A_941 : memref<1x50x64xf32, #tpu.memory_space<hbm>> -> memref<50x64xf32, #tpu.memory_space<hbm>>
      %dma_start3A_943 = arith.constant 0 : i32
      %dma_start3A_944 = arith.constant 0 : i32
      %dma_start3A_945 = tpu.memref_slice %arg4[%add3A_930, %dma_start3A_943, %dma_start3A_944] : memref<16384x56x128xf32, #tpu.memory_space<hbm>> -> memref<1x50x64xf32, #tpu.memory_space<hbm>>
      %dma_start3A_946 = tpu.memref_squeeze %dma_start3A_945 : memref<1x50x64xf32, #tpu.memory_space<hbm>> -> memref<50x64xf32, #tpu.memory_space<hbm>>
      %dma_start3A_947 = arith.constant 0 : i32
      %dma_start3A_948 = arith.constant 0 : i32
      %dma_start3A_949 = tpu.memref_slice %arg6[%dma_start3A_931, %dma_start3A_947, %dma_start3A_948] : memref<4x200x64xf32, #tpu.memory_space<vmem>> -> memref<1x200x64xf32, #tpu.memory_space<vmem>>
      %dma_start3A_950 = tpu.memref_squeeze %dma_start3A_949 : memref<1x200x64xf32, #tpu.memory_space<vmem>> -> memref<200x64xf32, #tpu.memory_space<vmem>>
      %dma_start3A_951 = arith.constant 100 : i32
      %dma_start3A_952 = arith.constant 0 : i32
      %dma_start3A_953 = tpu.memref_slice %dma_start3A_950[%dma_start3A_951, %dma_start3A_952] : memref<200x64xf32, #tpu.memory_space<vmem>> -> memref<50x64xf32, #tpu.memory_space<vmem>>
      tpu.enqueue_dma source(%dma_start3A_953 : memref<50x64xf32, #tpu.memory_space<vmem>>) target(%dma_start3A_946 : memref<50x64xf32, #tpu.memory_space<hbm>>) target_semaphore(%arg14 : memref<!tpu.dma_semaphore, #tpu.memory_space<semaphore_mem>>)
      %mul3A_954 = arith.constant 4 : i32
      %mul3A_955 = arith.muli %add3A_858, %mul3A_954 : i32
      %add3A_956 = arith.addi %mul3A_4, %mul3A_955 : i32
      %add3A_957 = arith.constant 3 : i32
      %add3A_958 = arith.addi %add3A_956, %add3A_957 : i32
      %dma_start3A_959 = arith.constant 3 : i32
      %dma_start3A_960 = arith.constant 0 : i32
      %dma_start3A_961 = arith.constant 0 : i32
      %dma_start3A_962 = tpu.memref_slice %arg6[%dma_start3A_959, %dma_start3A_960, %dma_start3A_961] : memref<4x200x64xf32, #tpu.memory_space<vmem>> -> memref<1x200x64xf32, #tpu.memory_space<vmem>>
      %dma_start3A_963 = tpu.memref_squeeze %dma_start3A_962 : memref<1x200x64xf32, #tpu.memory_space<vmem>> -> memref<200x64xf32, #tpu.memory_space<vmem>>
      %dma_start3A_964 = arith.constant 150 : i32
      %dma_start3A_965 = arith.constant 0 : i32
      %dma_start3A_966 = tpu.memref_slice %dma_start3A_963[%dma_start3A_964, %dma_start3A_965] : memref<200x64xf32, #tpu.memory_space<vmem>> -> memref<50x64xf32, #tpu.memory_space<vmem>>
      %dma_start3A_967 = arith.constant 0 : i32
      %dma_start3A_968 = arith.constant 0 : i32
      %dma_start3A_969 = tpu.memref_slice %arg4[%add3A_958, %dma_start3A_967, %dma_start3A_968] : memref<16384x56x128xf32, #tpu.memory_space<hbm>> -> memref<1x50x64xf32, #tpu.memory_space<hbm>>
      %dma_start3A_970 = tpu.memref_squeeze %dma_start3A_969 : memref<1x50x64xf32, #tpu.memory_space<hbm>> -> memref<50x64xf32, #tpu.memory_space<hbm>>
      %dma_start3A_971 = arith.constant 0 : i32
      %dma_start3A_972 = arith.constant 0 : i32
      %dma_start3A_973 = tpu.memref_slice %arg4[%add3A_958, %dma_start3A_971, %dma_start3A_972] : memref<16384x56x128xf32, #tpu.memory_space<hbm>> -> memref<1x50x64xf32, #tpu.memory_space<hbm>>
      %dma_start3A_974 = tpu.memref_squeeze %dma_start3A_973 : memref<1x50x64xf32, #tpu.memory_space<hbm>> -> memref<50x64xf32, #tpu.memory_space<hbm>>
      %dma_start3A_975 = arith.constant 0 : i32
      %dma_start3A_976 = arith.constant 0 : i32
      %dma_start3A_977 = tpu.memref_slice %arg6[%dma_start3A_959, %dma_start3A_975, %dma_start3A_976] : memref<4x200x64xf32, #tpu.memory_space<vmem>> -> memref<1x200x64xf32, #tpu.memory_space<vmem>>
      %dma_start3A_978 = tpu.memref_squeeze %dma_start3A_977 : memref<1x200x64xf32, #tpu.memory_space<vmem>> -> memref<200x64xf32, #tpu.memory_space<vmem>>
      %dma_start3A_979 = arith.constant 150 : i32
      %dma_start3A_980 = arith.constant 0 : i32
      %dma_start3A_981 = tpu.memref_slice %dma_start3A_978[%dma_start3A_979, %dma_start3A_980] : memref<200x64xf32, #tpu.memory_space<vmem>> -> memref<50x64xf32, #tpu.memory_space<vmem>>
      tpu.enqueue_dma source(%dma_start3A_981 : memref<50x64xf32, #tpu.memory_space<vmem>>) target(%dma_start3A_974 : memref<50x64xf32, #tpu.memory_space<hbm>>) target_semaphore(%arg14 : memref<!tpu.dma_semaphore, #tpu.memory_space<semaphore_mem>>)
      %add3A_982 = arith.constant 2 : i32
      %add3A_983 = arith.addi %add3A_858, %add3A_982 : i32
      %lt3A_984 = arith.constant 128 : i32
      %lt3A_985 = arith.cmpi slt, %add3A_983, %lt3A_984 : i32
      %convert_element_type3A_986 = arith.extui %lt3A_985 : i1 to i32
      %cond3A_987 = arith.constant 0 : i32
      %cond3A_988 = arith.cmpi ne, %convert_element_type3A_986, %cond3A_987 : i32
      scf.if %cond3A_988 {
        %ge3A = arith.constant 2 : i32
        %ge3A_989 = arith.cmpi sge, %add3A_858, %ge3A : i32
        %convert_element_type3A_990 = arith.extui %ge3A_989 : i1 to i32
        %cond3A_991 = arith.constant 0 : i32
        %cond3A_992 = arith.cmpi ne, %convert_element_type3A_990, %cond3A_991 : i32
        scf.if %cond3A_992 {
          %sub3A = arith.constant 2 : i32
          %sub3A_1006 = arith.subi %add3A_858, %sub3A : i32
          %mul3A_1007 = arith.constant 4 : i32
          %mul3A_1008 = arith.muli %sub3A_1006, %mul3A_1007 : i32
          %add3A_1009 = arith.addi %mul3A_4, %mul3A_1008 : i32
          %add3A_1010 = arith.constant 0 : i32
          %add3A_1011 = arith.addi %add3A_1009, %add3A_1010 : i32
          %dma_wait3A_1012 = arith.constant 1 : i32
          %dma_wait3A_1013 = arith.constant 0 : i32
          %dma_wait3A_1014 = arith.constant 0 : i32
          %dma_wait3A_1015 = tpu.memref_slice %arg6[%dma_wait3A_1012, %dma_wait3A_1013, %dma_wait3A_1014] : memref<4x200x64xf32, #tpu.memory_space<vmem>> -> memref<1x200x64xf32, #tpu.memory_space<vmem>>
          %dma_wait3A_1016 = tpu.memref_squeeze %dma_wait3A_1015 : memref<1x200x64xf32, #tpu.memory_space<vmem>> -> memref<200x64xf32, #tpu.memory_space<vmem>>
          %dma_wait3A_1017 = arith.constant 0 : i32
          %dma_wait3A_1018 = arith.constant 0 : i32
          %dma_wait3A_1019 = tpu.memref_slice %dma_wait3A_1016[%dma_wait3A_1017, %dma_wait3A_1018] : memref<200x64xf32, #tpu.memory_space<vmem>> -> memref<50x64xf32, #tpu.memory_space<vmem>>
          %dma_wait3A_1020 = arith.constant 0 : i32
          %dma_wait3A_1021 = arith.constant 0 : i32
          %dma_wait3A_1022 = tpu.memref_slice %arg4[%add3A_1011, %dma_wait3A_1020, %dma_wait3A_1021] : memref<16384x56x128xf32, #tpu.memory_space<hbm>> -> memref<1x50x64xf32, #tpu.memory_space<hbm>>
          %dma_wait3A_1023 = tpu.memref_squeeze %dma_wait3A_1022 : memref<1x50x64xf32, #tpu.memory_space<hbm>> -> memref<50x64xf32, #tpu.memory_space<hbm>>
          %dma_wait3A_1024 = arith.constant 0 : i32
          %dma_wait3A_1025 = arith.constant 0 : i32
          %dma_wait3A_1026 = tpu.memref_slice %arg4[%add3A_1011, %dma_wait3A_1024, %dma_wait3A_1025] : memref<16384x56x128xf32, #tpu.memory_space<hbm>> -> memref<1x50x64xf32, #tpu.memory_space<hbm>>
          %dma_wait3A_1027 = tpu.memref_squeeze %dma_wait3A_1026 : memref<1x50x64xf32, #tpu.memory_space<hbm>> -> memref<50x64xf32, #tpu.memory_space<hbm>>
          %dma_wait3A_1028 = arith.constant 0 : i32
          %dma_wait3A_1029 = arith.constant 0 : i32
          %dma_wait3A_1030 = tpu.memref_slice %arg6[%dma_wait3A_1012, %dma_wait3A_1028, %dma_wait3A_1029] : memref<4x200x64xf32, #tpu.memory_space<vmem>> -> memref<1x200x64xf32, #tpu.memory_space<vmem>>
          %dma_wait3A_1031 = tpu.memref_squeeze %dma_wait3A_1030 : memref<1x200x64xf32, #tpu.memory_space<vmem>> -> memref<200x64xf32, #tpu.memory_space<vmem>>
          %dma_wait3A_1032 = arith.constant 0 : i32
          %dma_wait3A_1033 = arith.constant 0 : i32
          %dma_wait3A_1034 = tpu.memref_slice %dma_wait3A_1031[%dma_wait3A_1032, %dma_wait3A_1033] : memref<200x64xf32, #tpu.memory_space<vmem>> -> memref<50x64xf32, #tpu.memory_space<vmem>>
          tpu.wait_dma2 semaphore(%arg12 : memref<!tpu.dma_semaphore, #tpu.memory_space<semaphore_mem>>) src(%dma_wait3A_1034 : memref<50x64xf32, #tpu.memory_space<vmem>>) dst(%dma_wait3A_1027 : memref<50x64xf32, #tpu.memory_space<hbm>>)
          %mul3A_1035 = arith.constant 4 : i32
          %mul3A_1036 = arith.muli %sub3A_1006, %mul3A_1035 : i32
          %add3A_1037 = arith.addi %mul3A_4, %mul3A_1036 : i32
          %add3A_1038 = arith.constant 1 : i32
          %add3A_1039 = arith.addi %add3A_1037, %add3A_1038 : i32
          %dma_wait3A_1040 = arith.constant 1 : i32
          %dma_wait3A_1041 = arith.constant 0 : i32
          %dma_wait3A_1042 = arith.constant 0 : i32
          %dma_wait3A_1043 = tpu.memref_slice %arg6[%dma_wait3A_1040, %dma_wait3A_1041, %dma_wait3A_1042] : memref<4x200x64xf32, #tpu.memory_space<vmem>> -> memref<1x200x64xf32, #tpu.memory_space<vmem>>
          %dma_wait3A_1044 = tpu.memref_squeeze %dma_wait3A_1043 : memref<1x200x64xf32, #tpu.memory_space<vmem>> -> memref<200x64xf32, #tpu.memory_space<vmem>>
          %dma_wait3A_1045 = arith.constant 50 : i32
          %dma_wait3A_1046 = arith.constant 0 : i32
          %dma_wait3A_1047 = tpu.memref_slice %dma_wait3A_1044[%dma_wait3A_1045, %dma_wait3A_1046] : memref<200x64xf32, #tpu.memory_space<vmem>> -> memref<50x64xf32, #tpu.memory_space<vmem>>
          %dma_wait3A_1048 = arith.constant 0 : i32
          %dma_wait3A_1049 = arith.constant 0 : i32
          %dma_wait3A_1050 = tpu.memref_slice %arg4[%add3A_1039, %dma_wait3A_1048, %dma_wait3A_1049] : memref<16384x56x128xf32, #tpu.memory_space<hbm>> -> memref<1x50x64xf32, #tpu.memory_space<hbm>>
          %dma_wait3A_1051 = tpu.memref_squeeze %dma_wait3A_1050 : memref<1x50x64xf32, #tpu.memory_space<hbm>> -> memref<50x64xf32, #tpu.memory_space<hbm>>
          %dma_wait3A_1052 = arith.constant 0 : i32
          %dma_wait3A_1053 = arith.constant 0 : i32
          %dma_wait3A_1054 = tpu.memref_slice %arg4[%add3A_1039, %dma_wait3A_1052, %dma_wait3A_1053] : memref<16384x56x128xf32, #tpu.memory_space<hbm>> -> memref<1x50x64xf32, #tpu.memory_space<hbm>>
          %dma_wait3A_1055 = tpu.memref_squeeze %dma_wait3A_1054 : memref<1x50x64xf32, #tpu.memory_space<hbm>> -> memref<50x64xf32, #tpu.memory_space<hbm>>
          %dma_wait3A_1056 = arith.constant 0 : i32
          %dma_wait3A_1057 = arith.constant 0 : i32
          %dma_wait3A_1058 = tpu.memref_slice %arg6[%dma_wait3A_1040, %dma_wait3A_1056, %dma_wait3A_1057] : memref<4x200x64xf32, #tpu.memory_space<vmem>> -> memref<1x200x64xf32, #tpu.memory_space<vmem>>
          %dma_wait3A_1059 = tpu.memref_squeeze %dma_wait3A_1058 : memref<1x200x64xf32, #tpu.memory_space<vmem>> -> memref<200x64xf32, #tpu.memory_space<vmem>>
          %dma_wait3A_1060 = arith.constant 50 : i32
          %dma_wait3A_1061 = arith.constant 0 : i32
          %dma_wait3A_1062 = tpu.memref_slice %dma_wait3A_1059[%dma_wait3A_1060, %dma_wait3A_1061] : memref<200x64xf32, #tpu.memory_space<vmem>> -> memref<50x64xf32, #tpu.memory_space<vmem>>
          tpu.wait_dma2 semaphore(%arg12 : memref<!tpu.dma_semaphore, #tpu.memory_space<semaphore_mem>>) src(%dma_wait3A_1062 : memref<50x64xf32, #tpu.memory_space<vmem>>) dst(%dma_wait3A_1055 : memref<50x64xf32, #tpu.memory_space<hbm>>)
          %mul3A_1063 = arith.constant 4 : i32
          %mul3A_1064 = arith.muli %sub3A_1006, %mul3A_1063 : i32
          %add3A_1065 = arith.addi %mul3A_4, %mul3A_1064 : i32
          %add3A_1066 = arith.constant 2 : i32
          %add3A_1067 = arith.addi %add3A_1065, %add3A_1066 : i32
          %dma_wait3A_1068 = arith.constant 1 : i32
          %dma_wait3A_1069 = arith.constant 0 : i32
          %dma_wait3A_1070 = arith.constant 0 : i32
          %dma_wait3A_1071 = tpu.memref_slice %arg6[%dma_wait3A_1068, %dma_wait3A_1069, %dma_wait3A_1070] : memref<4x200x64xf32, #tpu.memory_space<vmem>> -> memref<1x200x64xf32, #tpu.memory_space<vmem>>
          %dma_wait3A_1072 = tpu.memref_squeeze %dma_wait3A_1071 : memref<1x200x64xf32, #tpu.memory_space<vmem>> -> memref<200x64xf32, #tpu.memory_space<vmem>>
          %dma_wait3A_1073 = arith.constant 100 : i32
          %dma_wait3A_1074 = arith.constant 0 : i32
          %dma_wait3A_1075 = tpu.memref_slice %dma_wait3A_1072[%dma_wait3A_1073, %dma_wait3A_1074] : memref<200x64xf32, #tpu.memory_space<vmem>> -> memref<50x64xf32, #tpu.memory_space<vmem>>
          %dma_wait3A_1076 = arith.constant 0 : i32
          %dma_wait3A_1077 = arith.constant 0 : i32
          %dma_wait3A_1078 = tpu.memref_slice %arg4[%add3A_1067, %dma_wait3A_1076, %dma_wait3A_1077] : memref<16384x56x128xf32, #tpu.memory_space<hbm>> -> memref<1x50x64xf32, #tpu.memory_space<hbm>>
          %dma_wait3A_1079 = tpu.memref_squeeze %dma_wait3A_1078 : memref<1x50x64xf32, #tpu.memory_space<hbm>> -> memref<50x64xf32, #tpu.memory_space<hbm>>
          %dma_wait3A_1080 = arith.constant 0 : i32
          %dma_wait3A_1081 = arith.constant 0 : i32
          %dma_wait3A_1082 = tpu.memref_slice %arg4[%add3A_1067, %dma_wait3A_1080, %dma_wait3A_1081] : memref<16384x56x128xf32, #tpu.memory_space<hbm>> -> memref<1x50x64xf32, #tpu.memory_space<hbm>>
          %dma_wait3A_1083 = tpu.memref_squeeze %dma_wait3A_1082 : memref<1x50x64xf32, #tpu.memory_space<hbm>> -> memref<50x64xf32, #tpu.memory_space<hbm>>
          %dma_wait3A_1084 = arith.constant 0 : i32
          %dma_wait3A_1085 = arith.constant 0 : i32
          %dma_wait3A_1086 = tpu.memref_slice %arg6[%dma_wait3A_1068, %dma_wait3A_1084, %dma_wait3A_1085] : memref<4x200x64xf32, #tpu.memory_space<vmem>> -> memref<1x200x64xf32, #tpu.memory_space<vmem>>
          %dma_wait3A_1087 = tpu.memref_squeeze %dma_wait3A_1086 : memref<1x200x64xf32, #tpu.memory_space<vmem>> -> memref<200x64xf32, #tpu.memory_space<vmem>>
          %dma_wait3A_1088 = arith.constant 100 : i32
          %dma_wait3A_1089 = arith.constant 0 : i32
          %dma_wait3A_1090 = tpu.memref_slice %dma_wait3A_1087[%dma_wait3A_1088, %dma_wait3A_1089] : memref<200x64xf32, #tpu.memory_space<vmem>> -> memref<50x64xf32, #tpu.memory_space<vmem>>
          tpu.wait_dma2 semaphore(%arg12 : memref<!tpu.dma_semaphore, #tpu.memory_space<semaphore_mem>>) src(%dma_wait3A_1090 : memref<50x64xf32, #tpu.memory_space<vmem>>) dst(%dma_wait3A_1083 : memref<50x64xf32, #tpu.memory_space<hbm>>)
          %mul3A_1091 = arith.constant 4 : i32
          %mul3A_1092 = arith.muli %sub3A_1006, %mul3A_1091 : i32
          %add3A_1093 = arith.addi %mul3A_4, %mul3A_1092 : i32
          %add3A_1094 = arith.constant 3 : i32
          %add3A_1095 = arith.addi %add3A_1093, %add3A_1094 : i32
          %dma_wait3A_1096 = arith.constant 1 : i32
          %dma_wait3A_1097 = arith.constant 0 : i32
          %dma_wait3A_1098 = arith.constant 0 : i32
          %dma_wait3A_1099 = tpu.memref_slice %arg6[%dma_wait3A_1096, %dma_wait3A_1097, %dma_wait3A_1098] : memref<4x200x64xf32, #tpu.memory_space<vmem>> -> memref<1x200x64xf32, #tpu.memory_space<vmem>>
          %dma_wait3A_1100 = tpu.memref_squeeze %dma_wait3A_1099 : memref<1x200x64xf32, #tpu.memory_space<vmem>> -> memref<200x64xf32, #tpu.memory_space<vmem>>
          %dma_wait3A_1101 = arith.constant 150 : i32
          %dma_wait3A_1102 = arith.constant 0 : i32
          %dma_wait3A_1103 = tpu.memref_slice %dma_wait3A_1100[%dma_wait3A_1101, %dma_wait3A_1102] : memref<200x64xf32, #tpu.memory_space<vmem>> -> memref<50x64xf32, #tpu.memory_space<vmem>>
          %dma_wait3A_1104 = arith.constant 0 : i32
          %dma_wait3A_1105 = arith.constant 0 : i32
          %dma_wait3A_1106 = tpu.memref_slice %arg4[%add3A_1095, %dma_wait3A_1104, %dma_wait3A_1105] : memref<16384x56x128xf32, #tpu.memory_space<hbm>> -> memref<1x50x64xf32, #tpu.memory_space<hbm>>
          %dma_wait3A_1107 = tpu.memref_squeeze %dma_wait3A_1106 : memref<1x50x64xf32, #tpu.memory_space<hbm>> -> memref<50x64xf32, #tpu.memory_space<hbm>>
          %dma_wait3A_1108 = arith.constant 0 : i32
          %dma_wait3A_1109 = arith.constant 0 : i32
          %dma_wait3A_1110 = tpu.memref_slice %arg4[%add3A_1095, %dma_wait3A_1108, %dma_wait3A_1109] : memref<16384x56x128xf32, #tpu.memory_space<hbm>> -> memref<1x50x64xf32, #tpu.memory_space<hbm>>
          %dma_wait3A_1111 = tpu.memref_squeeze %dma_wait3A_1110 : memref<1x50x64xf32, #tpu.memory_space<hbm>> -> memref<50x64xf32, #tpu.memory_space<hbm>>
          %dma_wait3A_1112 = arith.constant 0 : i32
          %dma_wait3A_1113 = arith.constant 0 : i32
          %dma_wait3A_1114 = tpu.memref_slice %arg6[%dma_wait3A_1096, %dma_wait3A_1112, %dma_wait3A_1113] : memref<4x200x64xf32, #tpu.memory_space<vmem>> -> memref<1x200x64xf32, #tpu.memory_space<vmem>>
          %dma_wait3A_1115 = tpu.memref_squeeze %dma_wait3A_1114 : memref<1x200x64xf32, #tpu.memory_space<vmem>> -> memref<200x64xf32, #tpu.memory_space<vmem>>
          %dma_wait3A_1116 = arith.constant 150 : i32
          %dma_wait3A_1117 = arith.constant 0 : i32
          %dma_wait3A_1118 = tpu.memref_slice %dma_wait3A_1115[%dma_wait3A_1116, %dma_wait3A_1117] : memref<200x64xf32, #tpu.memory_space<vmem>> -> memref<50x64xf32, #tpu.memory_space<vmem>>
          tpu.wait_dma2 semaphore(%arg12 : memref<!tpu.dma_semaphore, #tpu.memory_space<semaphore_mem>>) src(%dma_wait3A_1118 : memref<50x64xf32, #tpu.memory_space<vmem>>) dst(%dma_wait3A_1111 : memref<50x64xf32, #tpu.memory_space<hbm>>)
        } else {
        }
        %add3A_993 = arith.constant 2 : i32
        %add3A_994 = arith.addi %add3A_858, %add3A_993 : i32
        %mul3A_995 = arith.constant 200 : i32
        %mul3A_996 = arith.muli %add3A_994, %mul3A_995 : i32
        %dma_start3A_997 = arith.constant 1 : i32
        %dma_start3A_998 = arith.constant 0 : i32
        %dma_start3A_999 = arith.constant 0 : i32
        %dma_start3A_1000 = tpu.memref_slice %arg6[%dma_start3A_997, %dma_start3A_998, %dma_start3A_999] : memref<4x200x64xf32, #tpu.memory_space<vmem>> -> memref<1x200x64xf32, #tpu.memory_space<vmem>>
        %dma_start3A_1001 = tpu.memref_squeeze %dma_start3A_1000 : memref<1x200x64xf32, #tpu.memory_space<vmem>> -> memref<200x64xf32, #tpu.memory_space<vmem>>
        %dma_start3A_1002 = tpu.memref_slice %arg5[%mul3A_996] : memref<25600xi32, #tpu.memory_space<vmem>> -> memref<200xi32, #tpu.memory_space<vmem>>
        %dma_start3A_1003 = arith.constant 0 : i32
        %dma_start3A_1004 = arith.constant 0 : i32
        %dma_start3A_1005 = tpu.memref_slice %arg3[%dma_start3A_1003, %dma_start3A_1004] : memref<1000000x64xf32, #tpu.memory_space<hbm>> -> memref<1000000x64xf32, #tpu.memory_space<hbm>>
        tpu.enqueue_indirect_dma source(%dma_start3A_1005 : memref<1000000x64xf32, #tpu.memory_space<hbm>>) target(%dma_start3A_1001 : memref<200x64xf32, #tpu.memory_space<vmem>>) offsets(%dma_start3A_1002 : memref<200xi32, #tpu.memory_space<vmem>>) semaphore(%arg8 : memref<!tpu.dma_semaphore, #tpu.memory_space<semaphore_mem>>)
      } else {
      }
    }
    %scan3A_27 = arith.constant 32 : i32
    %add3A_28 = arith.constant 496 : i32
    %add3A_29 = arith.addi %mul3A_4, %add3A_28 : i32
    %add3A_30 = arith.constant 0 : i32
    %add3A_31 = arith.addi %add3A_29, %add3A_30 : i32
    %dma_wait3A = arith.constant 0 : i32
    %dma_wait3A_32 = arith.constant 0 : i32
    %dma_wait3A_33 = arith.constant 0 : i32
    %dma_wait3A_34 = tpu.memref_slice %arg6[%dma_wait3A, %dma_wait3A_32, %dma_wait3A_33] : memref<4x200x64xf32, #tpu.memory_space<vmem>> -> memref<1x200x64xf32, #tpu.memory_space<vmem>>
    %dma_wait3A_35 = tpu.memref_squeeze %dma_wait3A_34 : memref<1x200x64xf32, #tpu.memory_space<vmem>> -> memref<200x64xf32, #tpu.memory_space<vmem>>
    %dma_wait3A_36 = arith.constant 0 : i32
    %dma_wait3A_37 = arith.constant 0 : i32
    %dma_wait3A_38 = tpu.memref_slice %dma_wait3A_35[%dma_wait3A_36, %dma_wait3A_37] : memref<200x64xf32, #tpu.memory_space<vmem>> -> memref<50x64xf32, #tpu.memory_space<vmem>>
    %dma_wait3A_39 = arith.constant 0 : i32
    %dma_wait3A_40 = arith.constant 0 : i32
    %dma_wait3A_41 = tpu.memref_slice %arg4[%add3A_31, %dma_wait3A_39, %dma_wait3A_40] : memref<16384x56x128xf32, #tpu.memory_space<hbm>> -> memref<1x50x64xf32, #tpu.memory_space<hbm>>
    %dma_wait3A_42 = tpu.memref_squeeze %dma_wait3A_41 : memref<1x50x64xf32, #tpu.memory_space<hbm>> -> memref<50x64xf32, #tpu.memory_space<hbm>>
    %dma_wait3A_43 = arith.constant 0 : i32
    %dma_wait3A_44 = arith.constant 0 : i32
    %dma_wait3A_45 = tpu.memref_slice %arg4[%add3A_31, %dma_wait3A_43, %dma_wait3A_44] : memref<16384x56x128xf32, #tpu.memory_space<hbm>> -> memref<1x50x64xf32, #tpu.memory_space<hbm>>
    %dma_wait3A_46 = tpu.memref_squeeze %dma_wait3A_45 : memref<1x50x64xf32, #tpu.memory_space<hbm>> -> memref<50x64xf32, #tpu.memory_space<hbm>>
    %dma_wait3A_47 = arith.constant 0 : i32
    %dma_wait3A_48 = arith.constant 0 : i32
    %dma_wait3A_49 = tpu.memref_slice %arg6[%dma_wait3A, %dma_wait3A_47, %dma_wait3A_48] : memref<4x200x64xf32, #tpu.memory_space<vmem>> -> memref<1x200x64xf32, #tpu.memory_space<vmem>>
    %dma_wait3A_50 = tpu.memref_squeeze %dma_wait3A_49 : memref<1x200x64xf32, #tpu.memory_space<vmem>> -> memref<200x64xf32, #tpu.memory_space<vmem>>
    %dma_wait3A_51 = arith.constant 0 : i32
    %dma_wait3A_52 = arith.constant 0 : i32
    %dma_wait3A_53 = tpu.memref_slice %dma_wait3A_50[%dma_wait3A_51, %dma_wait3A_52] : memref<200x64xf32, #tpu.memory_space<vmem>> -> memref<50x64xf32, #tpu.memory_space<vmem>>
    tpu.wait_dma2 semaphore(%arg11 : memref<!tpu.dma_semaphore, #tpu.memory_space<semaphore_mem>>) src(%dma_wait3A_53 : memref<50x64xf32, #tpu.memory_space<vmem>>) dst(%dma_wait3A_46 : memref<50x64xf32, #tpu.memory_space<hbm>>)
    %add3A_54 = arith.constant 496 : i32
    %add3A_55 = arith.addi %mul3A_4, %add3A_54 : i32
    %add3A_56 = arith.constant 1 : i32
    %add3A_57 = arith.addi %add3A_55, %add3A_56 : i32
    %dma_wait3A_58 = arith.constant 0 : i32
    %dma_wait3A_59 = arith.constant 0 : i32
    %dma_wait3A_60 = arith.constant 0 : i32
    %dma_wait3A_61 = tpu.memref_slice %arg6[%dma_wait3A_58, %dma_wait3A_59, %dma_wait3A_60] : memref<4x200x64xf32, #tpu.memory_space<vmem>> -> memref<1x200x64xf32, #tpu.memory_space<vmem>>
    %dma_wait3A_62 = tpu.memref_squeeze %dma_wait3A_61 : memref<1x200x64xf32, #tpu.memory_space<vmem>> -> memref<200x64xf32, #tpu.memory_space<vmem>>
    %dma_wait3A_63 = arith.constant 50 : i32
    %dma_wait3A_64 = arith.constant 0 : i32
    %dma_wait3A_65 = tpu.memref_slice %dma_wait3A_62[%dma_wait3A_63, %dma_wait3A_64] : memref<200x64xf32, #tpu.memory_space<vmem>> -> memref<50x64xf32, #tpu.memory_space<vmem>>
    %dma_wait3A_66 = arith.constant 0 : i32
    %dma_wait3A_67 = arith.constant 0 : i32
    %dma_wait3A_68 = tpu.memref_slice %arg4[%add3A_57, %dma_wait3A_66, %dma_wait3A_67] : memref<16384x56x128xf32, #tpu.memory_space<hbm>> -> memref<1x50x64xf32, #tpu.memory_space<hbm>>
    %dma_wait3A_69 = tpu.memref_squeeze %dma_wait3A_68 : memref<1x50x64xf32, #tpu.memory_space<hbm>> -> memref<50x64xf32, #tpu.memory_space<hbm>>
    %dma_wait3A_70 = arith.constant 0 : i32
    %dma_wait3A_71 = arith.constant 0 : i32
    %dma_wait3A_72 = tpu.memref_slice %arg4[%add3A_57, %dma_wait3A_70, %dma_wait3A_71] : memref<16384x56x128xf32, #tpu.memory_space<hbm>> -> memref<1x50x64xf32, #tpu.memory_space<hbm>>
    %dma_wait3A_73 = tpu.memref_squeeze %dma_wait3A_72 : memref<1x50x64xf32, #tpu.memory_space<hbm>> -> memref<50x64xf32, #tpu.memory_space<hbm>>
    %dma_wait3A_74 = arith.constant 0 : i32
    %dma_wait3A_75 = arith.constant 0 : i32
    %dma_wait3A_76 = tpu.memref_slice %arg6[%dma_wait3A_58, %dma_wait3A_74, %dma_wait3A_75] : memref<4x200x64xf32, #tpu.memory_space<vmem>> -> memref<1x200x64xf32, #tpu.memory_space<vmem>>
    %dma_wait3A_77 = tpu.memref_squeeze %dma_wait3A_76 : memref<1x200x64xf32, #tpu.memory_space<vmem>> -> memref<200x64xf32, #tpu.memory_space<vmem>>
    %dma_wait3A_78 = arith.constant 50 : i32
    %dma_wait3A_79 = arith.constant 0 : i32
    %dma_wait3A_80 = tpu.memref_slice %dma_wait3A_77[%dma_wait3A_78, %dma_wait3A_79] : memref<200x64xf32, #tpu.memory_space<vmem>> -> memref<50x64xf32, #tpu.memory_space<vmem>>
    tpu.wait_dma2 semaphore(%arg11 : memref<!tpu.dma_semaphore, #tpu.memory_space<semaphore_mem>>) src(%dma_wait3A_80 : memref<50x64xf32, #tpu.memory_space<vmem>>) dst(%dma_wait3A_73 : memref<50x64xf32, #tpu.memory_space<hbm>>)
    %add3A_81 = arith.constant 496 : i32
    %add3A_82 = arith.addi %mul3A_4, %add3A_81 : i32
    %add3A_83 = arith.constant 2 : i32
    %add3A_84 = arith.addi %add3A_82, %add3A_83 : i32
    %dma_wait3A_85 = arith.constant 0 : i32
    %dma_wait3A_86 = arith.constant 0 : i32
    %dma_wait3A_87 = arith.constant 0 : i32
    %dma_wait3A_88 = tpu.memref_slice %arg6[%dma_wait3A_85, %dma_wait3A_86, %dma_wait3A_87] : memref<4x200x64xf32, #tpu.memory_space<vmem>> -> memref<1x200x64xf32, #tpu.memory_space<vmem>>
    %dma_wait3A_89 = tpu.memref_squeeze %dma_wait3A_88 : memref<1x200x64xf32, #tpu.memory_space<vmem>> -> memref<200x64xf32, #tpu.memory_space<vmem>>
    %dma_wait3A_90 = arith.constant 100 : i32
    %dma_wait3A_91 = arith.constant 0 : i32
    %dma_wait3A_92 = tpu.memref_slice %dma_wait3A_89[%dma_wait3A_90, %dma_wait3A_91] : memref<200x64xf32, #tpu.memory_space<vmem>> -> memref<50x64xf32, #tpu.memory_space<vmem>>
    %dma_wait3A_93 = arith.constant 0 : i32
    %dma_wait3A_94 = arith.constant 0 : i32
    %dma_wait3A_95 = tpu.memref_slice %arg4[%add3A_84, %dma_wait3A_93, %dma_wait3A_94] : memref<16384x56x128xf32, #tpu.memory_space<hbm>> -> memref<1x50x64xf32, #tpu.memory_space<hbm>>
    %dma_wait3A_96 = tpu.memref_squeeze %dma_wait3A_95 : memref<1x50x64xf32, #tpu.memory_space<hbm>> -> memref<50x64xf32, #tpu.memory_space<hbm>>
    %dma_wait3A_97 = arith.constant 0 : i32
    %dma_wait3A_98 = arith.constant 0 : i32
    %dma_wait3A_99 = tpu.memref_slice %arg4[%add3A_84, %dma_wait3A_97, %dma_wait3A_98] : memref<16384x56x128xf32, #tpu.memory_space<hbm>> -> memref<1x50x64xf32, #tpu.memory_space<hbm>>
    %dma_wait3A_100 = tpu.memref_squeeze %dma_wait3A_99 : memref<1x50x64xf32, #tpu.memory_space<hbm>> -> memref<50x64xf32, #tpu.memory_space<hbm>>
    %dma_wait3A_101 = arith.constant 0 : i32
    %dma_wait3A_102 = arith.constant 0 : i32
    %dma_wait3A_103 = tpu.memref_slice %arg6[%dma_wait3A_85, %dma_wait3A_101, %dma_wait3A_102] : memref<4x200x64xf32, #tpu.memory_space<vmem>> -> memref<1x200x64xf32, #tpu.memory_space<vmem>>
    %dma_wait3A_104 = tpu.memref_squeeze %dma_wait3A_103 : memref<1x200x64xf32, #tpu.memory_space<vmem>> -> memref<200x64xf32, #tpu.memory_space<vmem>>
    %dma_wait3A_105 = arith.constant 100 : i32
    %dma_wait3A_106 = arith.constant 0 : i32
    %dma_wait3A_107 = tpu.memref_slice %dma_wait3A_104[%dma_wait3A_105, %dma_wait3A_106] : memref<200x64xf32, #tpu.memory_space<vmem>> -> memref<50x64xf32, #tpu.memory_space<vmem>>
    tpu.wait_dma2 semaphore(%arg11 : memref<!tpu.dma_semaphore, #tpu.memory_space<semaphore_mem>>) src(%dma_wait3A_107 : memref<50x64xf32, #tpu.memory_space<vmem>>) dst(%dma_wait3A_100 : memref<50x64xf32, #tpu.memory_space<hbm>>)
    %add3A_108 = arith.constant 496 : i32
    %add3A_109 = arith.addi %mul3A_4, %add3A_108 : i32
    %add3A_110 = arith.constant 3 : i32
    %add3A_111 = arith.addi %add3A_109, %add3A_110 : i32
    %dma_wait3A_112 = arith.constant 0 : i32
    %dma_wait3A_113 = arith.constant 0 : i32
    %dma_wait3A_114 = arith.constant 0 : i32
    %dma_wait3A_115 = tpu.memref_slice %arg6[%dma_wait3A_112, %dma_wait3A_113, %dma_wait3A_114] : memref<4x200x64xf32, #tpu.memory_space<vmem>> -> memref<1x200x64xf32, #tpu.memory_space<vmem>>
    %dma_wait3A_116 = tpu.memref_squeeze %dma_wait3A_115 : memref<1x200x64xf32, #tpu.memory_space<vmem>> -> memref<200x64xf32, #tpu.memory_space<vmem>>
    %dma_wait3A_117 = arith.constant 150 : i32
    %dma_wait3A_118 = arith.constant 0 : i32
    %dma_wait3A_119 = tpu.memref_slice %dma_wait3A_116[%dma_wait3A_117, %dma_wait3A_118] : memref<200x64xf32, #tpu.memory_space<vmem>> -> memref<50x64xf32, #tpu.memory_space<vmem>>
    %dma_wait3A_120 = arith.constant 0 : i32
    %dma_wait3A_121 = arith.constant 0 : i32
    %dma_wait3A_122 = tpu.memref_slice %arg4[%add3A_111, %dma_wait3A_120, %dma_wait3A_121] : memref<16384x56x128xf32, #tpu.memory_space<hbm>> -> memref<1x50x64xf32, #tpu.memory_space<hbm>>
    %dma_wait3A_123 = tpu.memref_squeeze %dma_wait3A_122 : memref<1x50x64xf32, #tpu.memory_space<hbm>> -> memref<50x64xf32, #tpu.memory_space<hbm>>
    %dma_wait3A_124 = arith.constant 0 : i32
    %dma_wait3A_125 = arith.constant 0 : i32
    %dma_wait3A_126 = tpu.memref_slice %arg4[%add3A_111, %dma_wait3A_124, %dma_wait3A_125] : memref<16384x56x128xf32, #tpu.memory_space<hbm>> -> memref<1x50x64xf32, #tpu.memory_space<hbm>>
    %dma_wait3A_127 = tpu.memref_squeeze %dma_wait3A_126 : memref<1x50x64xf32, #tpu.memory_space<hbm>> -> memref<50x64xf32, #tpu.memory_space<hbm>>
    %dma_wait3A_128 = arith.constant 0 : i32
    %dma_wait3A_129 = arith.constant 0 : i32
    %dma_wait3A_130 = tpu.memref_slice %arg6[%dma_wait3A_112, %dma_wait3A_128, %dma_wait3A_129] : memref<4x200x64xf32, #tpu.memory_space<vmem>> -> memref<1x200x64xf32, #tpu.memory_space<vmem>>
    %dma_wait3A_131 = tpu.memref_squeeze %dma_wait3A_130 : memref<1x200x64xf32, #tpu.memory_space<vmem>> -> memref<200x64xf32, #tpu.memory_space<vmem>>
    %dma_wait3A_132 = arith.constant 150 : i32
    %dma_wait3A_133 = arith.constant 0 : i32
    %dma_wait3A_134 = tpu.memref_slice %dma_wait3A_131[%dma_wait3A_132, %dma_wait3A_133] : memref<200x64xf32, #tpu.memory_space<vmem>> -> memref<50x64xf32, #tpu.memory_space<vmem>>
    tpu.wait_dma2 semaphore(%arg11 : memref<!tpu.dma_semaphore, #tpu.memory_space<semaphore_mem>>) src(%dma_wait3A_134 : memref<50x64xf32, #tpu.memory_space<vmem>>) dst(%dma_wait3A_127 : memref<50x64xf32, #tpu.memory_space<hbm>>)
    %add3A_135 = arith.constant 500 : i32
    %add3A_136 = arith.addi %mul3A_4, %add3A_135 : i32
    %add3A_137 = arith.constant 0 : i32
    %add3A_138 = arith.addi %add3A_136, %add3A_137 : i32
    %dma_wait3A_139 = arith.constant 1 : i32
    %dma_wait3A_140 = arith.constant 0 : i32
    %dma_wait3A_141 = arith.constant 0 : i32
    %dma_wait3A_142 = tpu.memref_slice %arg6[%dma_wait3A_139, %dma_wait3A_140, %dma_wait3A_141] : memref<4x200x64xf32, #tpu.memory_space<vmem>> -> memref<1x200x64xf32, #tpu.memory_space<vmem>>
    %dma_wait3A_143 = tpu.memref_squeeze %dma_wait3A_142 : memref<1x200x64xf32, #tpu.memory_space<vmem>> -> memref<200x64xf32, #tpu.memory_space<vmem>>
    %dma_wait3A_144 = arith.constant 0 : i32
    %dma_wait3A_145 = arith.constant 0 : i32
    %dma_wait3A_146 = tpu.memref_slice %dma_wait3A_143[%dma_wait3A_144, %dma_wait3A_145] : memref<200x64xf32, #tpu.memory_space<vmem>> -> memref<50x64xf32, #tpu.memory_space<vmem>>
    %dma_wait3A_147 = arith.constant 0 : i32
    %dma_wait3A_148 = arith.constant 0 : i32
    %dma_wait3A_149 = tpu.memref_slice %arg4[%add3A_138, %dma_wait3A_147, %dma_wait3A_148] : memref<16384x56x128xf32, #tpu.memory_space<hbm>> -> memref<1x50x64xf32, #tpu.memory_space<hbm>>
    %dma_wait3A_150 = tpu.memref_squeeze %dma_wait3A_149 : memref<1x50x64xf32, #tpu.memory_space<hbm>> -> memref<50x64xf32, #tpu.memory_space<hbm>>
    %dma_wait3A_151 = arith.constant 0 : i32
    %dma_wait3A_152 = arith.constant 0 : i32
    %dma_wait3A_153 = tpu.memref_slice %arg4[%add3A_138, %dma_wait3A_151, %dma_wait3A_152] : memref<16384x56x128xf32, #tpu.memory_space<hbm>> -> memref<1x50x64xf32, #tpu.memory_space<hbm>>
    %dma_wait3A_154 = tpu.memref_squeeze %dma_wait3A_153 : memref<1x50x64xf32, #tpu.memory_space<hbm>> -> memref<50x64xf32, #tpu.memory_space<hbm>>
    %dma_wait3A_155 = arith.constant 0 : i32
    %dma_wait3A_156 = arith.constant 0 : i32
    %dma_wait3A_157 = tpu.memref_slice %arg6[%dma_wait3A_139, %dma_wait3A_155, %dma_wait3A_156] : memref<4x200x64xf32, #tpu.memory_space<vmem>> -> memref<1x200x64xf32, #tpu.memory_space<vmem>>
    %dma_wait3A_158 = tpu.memref_squeeze %dma_wait3A_157 : memref<1x200x64xf32, #tpu.memory_space<vmem>> -> memref<200x64xf32, #tpu.memory_space<vmem>>
    %dma_wait3A_159 = arith.constant 0 : i32
    %dma_wait3A_160 = arith.constant 0 : i32
    %dma_wait3A_161 = tpu.memref_slice %dma_wait3A_158[%dma_wait3A_159, %dma_wait3A_160] : memref<200x64xf32, #tpu.memory_space<vmem>> -> memref<50x64xf32, #tpu.memory_space<vmem>>
    tpu.wait_dma2 semaphore(%arg12 : memref<!tpu.dma_semaphore, #tpu.memory_space<semaphore_mem>>) src(%dma_wait3A_161 : memref<50x64xf32, #tpu.memory_space<vmem>>) dst(%dma_wait3A_154 : memref<50x64xf32, #tpu.memory_space<hbm>>)
    %add3A_162 = arith.constant 500 : i32
    %add3A_163 = arith.addi %mul3A_4, %add3A_162 : i32
    %add3A_164 = arith.constant 1 : i32
    %add3A_165 = arith.addi %add3A_163, %add3A_164 : i32
    %dma_wait3A_166 = arith.constant 1 : i32
    %dma_wait3A_167 = arith.constant 0 : i32
    %dma_wait3A_168 = arith.constant 0 : i32
    %dma_wait3A_169 = tpu.memref_slice %arg6[%dma_wait3A_166, %dma_wait3A_167, %dma_wait3A_168] : memref<4x200x64xf32, #tpu.memory_space<vmem>> -> memref<1x200x64xf32, #tpu.memory_space<vmem>>
    %dma_wait3A_170 = tpu.memref_squeeze %dma_wait3A_169 : memref<1x200x64xf32, #tpu.memory_space<vmem>> -> memref<200x64xf32, #tpu.memory_space<vmem>>
    %dma_wait3A_171 = arith.constant 50 : i32
    %dma_wait3A_172 = arith.constant 0 : i32
    %dma_wait3A_173 = tpu.memref_slice %dma_wait3A_170[%dma_wait3A_171, %dma_wait3A_172] : memref<200x64xf32, #tpu.memory_space<vmem>> -> memref<50x64xf32, #tpu.memory_space<vmem>>
    %dma_wait3A_174 = arith.constant 0 : i32
    %dma_wait3A_175 = arith.constant 0 : i32
    %dma_wait3A_176 = tpu.memref_slice %arg4[%add3A_165, %dma_wait3A_174, %dma_wait3A_175] : memref<16384x56x128xf32, #tpu.memory_space<hbm>> -> memref<1x50x64xf32, #tpu.memory_space<hbm>>
    %dma_wait3A_177 = tpu.memref_squeeze %dma_wait3A_176 : memref<1x50x64xf32, #tpu.memory_space<hbm>> -> memref<50x64xf32, #tpu.memory_space<hbm>>
    %dma_wait3A_178 = arith.constant 0 : i32
    %dma_wait3A_179 = arith.constant 0 : i32
    %dma_wait3A_180 = tpu.memref_slice %arg4[%add3A_165, %dma_wait3A_178, %dma_wait3A_179] : memref<16384x56x128xf32, #tpu.memory_space<hbm>> -> memref<1x50x64xf32, #tpu.memory_space<hbm>>
    %dma_wait3A_181 = tpu.memref_squeeze %dma_wait3A_180 : memref<1x50x64xf32, #tpu.memory_space<hbm>> -> memref<50x64xf32, #tpu.memory_space<hbm>>
    %dma_wait3A_182 = arith.constant 0 : i32
    %dma_wait3A_183 = arith.constant 0 : i32
    %dma_wait3A_184 = tpu.memref_slice %arg6[%dma_wait3A_166, %dma_wait3A_182, %dma_wait3A_183] : memref<4x200x64xf32, #tpu.memory_space<vmem>> -> memref<1x200x64xf32, #tpu.memory_space<vmem>>
    %dma_wait3A_185 = tpu.memref_squeeze %dma_wait3A_184 : memref<1x200x64xf32, #tpu.memory_space<vmem>> -> memref<200x64xf32, #tpu.memory_space<vmem>>
    %dma_wait3A_186 = arith.constant 50 : i32
    %dma_wait3A_187 = arith.constant 0 : i32
    %dma_wait3A_188 = tpu.memref_slice %dma_wait3A_185[%dma_wait3A_186, %dma_wait3A_187] : memref<200x64xf32, #tpu.memory_space<vmem>> -> memref<50x64xf32, #tpu.memory_space<vmem>>
    tpu.wait_dma2 semaphore(%arg12 : memref<!tpu.dma_semaphore, #tpu.memory_space<semaphore_mem>>) src(%dma_wait3A_188 : memref<50x64xf32, #tpu.memory_space<vmem>>) dst(%dma_wait3A_181 : memref<50x64xf32, #tpu.memory_space<hbm>>)
    %add3A_189 = arith.constant 500 : i32
    %add3A_190 = arith.addi %mul3A_4, %add3A_189 : i32
    %add3A_191 = arith.constant 2 : i32
    %add3A_192 = arith.addi %add3A_190, %add3A_191 : i32
    %dma_wait3A_193 = arith.constant 1 : i32
    %dma_wait3A_194 = arith.constant 0 : i32
    %dma_wait3A_195 = arith.constant 0 : i32
    %dma_wait3A_196 = tpu.memref_slice %arg6[%dma_wait3A_193, %dma_wait3A_194, %dma_wait3A_195] : memref<4x200x64xf32, #tpu.memory_space<vmem>> -> memref<1x200x64xf32, #tpu.memory_space<vmem>>
    %dma_wait3A_197 = tpu.memref_squeeze %dma_wait3A_196 : memref<1x200x64xf32, #tpu.memory_space<vmem>> -> memref<200x64xf32, #tpu.memory_space<vmem>>
    %dma_wait3A_198 = arith.constant 100 : i32
    %dma_wait3A_199 = arith.constant 0 : i32
    %dma_wait3A_200 = tpu.memref_slice %dma_wait3A_197[%dma_wait3A_198, %dma_wait3A_199] : memref<200x64xf32, #tpu.memory_space<vmem>> -> memref<50x64xf32, #tpu.memory_space<vmem>>
    %dma_wait3A_201 = arith.constant 0 : i32
    %dma_wait3A_202 = arith.constant 0 : i32
    %dma_wait3A_203 = tpu.memref_slice %arg4[%add3A_192, %dma_wait3A_201, %dma_wait3A_202] : memref<16384x56x128xf32, #tpu.memory_space<hbm>> -> memref<1x50x64xf32, #tpu.memory_space<hbm>>
    %dma_wait3A_204 = tpu.memref_squeeze %dma_wait3A_203 : memref<1x50x64xf32, #tpu.memory_space<hbm>> -> memref<50x64xf32, #tpu.memory_space<hbm>>
    %dma_wait3A_205 = arith.constant 0 : i32
    %dma_wait3A_206 = arith.constant 0 : i32
    %dma_wait3A_207 = tpu.memref_slice %arg4[%add3A_192, %dma_wait3A_205, %dma_wait3A_206] : memref<16384x56x128xf32, #tpu.memory_space<hbm>> -> memref<1x50x64xf32, #tpu.memory_space<hbm>>
    %dma_wait3A_208 = tpu.memref_squeeze %dma_wait3A_207 : memref<1x50x64xf32, #tpu.memory_space<hbm>> -> memref<50x64xf32, #tpu.memory_space<hbm>>
    %dma_wait3A_209 = arith.constant 0 : i32
    %dma_wait3A_210 = arith.constant 0 : i32
    %dma_wait3A_211 = tpu.memref_slice %arg6[%dma_wait3A_193, %dma_wait3A_209, %dma_wait3A_210] : memref<4x200x64xf32, #tpu.memory_space<vmem>> -> memref<1x200x64xf32, #tpu.memory_space<vmem>>
    %dma_wait3A_212 = tpu.memref_squeeze %dma_wait3A_211 : memref<1x200x64xf32, #tpu.memory_space<vmem>> -> memref<200x64xf32, #tpu.memory_space<vmem>>
    %dma_wait3A_213 = arith.constant 100 : i32
    %dma_wait3A_214 = arith.constant 0 : i32
    %dma_wait3A_215 = tpu.memref_slice %dma_wait3A_212[%dma_wait3A_213, %dma_wait3A_214] : memref<200x64xf32, #tpu.memory_space<vmem>> -> memref<50x64xf32, #tpu.memory_space<vmem>>
    tpu.wait_dma2 semaphore(%arg12 : memref<!tpu.dma_semaphore, #tpu.memory_space<semaphore_mem>>) src(%dma_wait3A_215 : memref<50x64xf32, #tpu.memory_space<vmem>>) dst(%dma_wait3A_208 : memref<50x64xf32, #tpu.memory_space<hbm>>)
    %add3A_216 = arith.constant 500 : i32
    %add3A_217 = arith.addi %mul3A_4, %add3A_216 : i32
    %add3A_218 = arith.constant 3 : i32
    %add3A_219 = arith.addi %add3A_217, %add3A_218 : i32
    %dma_wait3A_220 = arith.constant 1 : i32
    %dma_wait3A_221 = arith.constant 0 : i32
    %dma_wait3A_222 = arith.constant 0 : i32
    %dma_wait3A_223 = tpu.memref_slice %arg6[%dma_wait3A_220, %dma_wait3A_221, %dma_wait3A_222] : memref<4x200x64xf32, #tpu.memory_space<vmem>> -> memref<1x200x64xf32, #tpu.memory_space<vmem>>
    %dma_wait3A_224 = tpu.memref_squeeze %dma_wait3A_223 : memref<1x200x64xf32, #tpu.memory_space<vmem>> -> memref<200x64xf32, #tpu.memory_space<vmem>>
    %dma_wait3A_225 = arith.constant 150 : i32
    %dma_wait3A_226 = arith.constant 0 : i32
    %dma_wait3A_227 = tpu.memref_slice %dma_wait3A_224[%dma_wait3A_225, %dma_wait3A_226] : memref<200x64xf32, #tpu.memory_space<vmem>> -> memref<50x64xf32, #tpu.memory_space<vmem>>
    %dma_wait3A_228 = arith.constant 0 : i32
    %dma_wait3A_229 = arith.constant 0 : i32
    %dma_wait3A_230 = tpu.memref_slice %arg4[%add3A_219, %dma_wait3A_228, %dma_wait3A_229] : memref<16384x56x128xf32, #tpu.memory_space<hbm>> -> memref<1x50x64xf32, #tpu.memory_space<hbm>>
    %dma_wait3A_231 = tpu.memref_squeeze %dma_wait3A_230 : memref<1x50x64xf32, #tpu.memory_space<hbm>> -> memref<50x64xf32, #tpu.memory_space<hbm>>
    %dma_wait3A_232 = arith.constant 0 : i32
    %dma_wait3A_233 = arith.constant 0 : i32
    %dma_wait3A_234 = tpu.memref_slice %arg4[%add3A_219, %dma_wait3A_232, %dma_wait3A_233] : memref<16384x56x128xf32, #tpu.memory_space<hbm>> -> memref<1x50x64xf32, #tpu.memory_space<hbm>>
    %dma_wait3A_235 = tpu.memref_squeeze %dma_wait3A_234 : memref<1x50x64xf32, #tpu.memory_space<hbm>> -> memref<50x64xf32, #tpu.memory_space<hbm>>
    %dma_wait3A_236 = arith.constant 0 : i32
    %dma_wait3A_237 = arith.constant 0 : i32
    %dma_wait3A_238 = tpu.memref_slice %arg6[%dma_wait3A_220, %dma_wait3A_236, %dma_wait3A_237] : memref<4x200x64xf32, #tpu.memory_space<vmem>> -> memref<1x200x64xf32, #tpu.memory_space<vmem>>
    %dma_wait3A_239 = tpu.memref_squeeze %dma_wait3A_238 : memref<1x200x64xf32, #tpu.memory_space<vmem>> -> memref<200x64xf32, #tpu.memory_space<vmem>>
    %dma_wait3A_240 = arith.constant 150 : i32
    %dma_wait3A_241 = arith.constant 0 : i32
    %dma_wait3A_242 = tpu.memref_slice %dma_wait3A_239[%dma_wait3A_240, %dma_wait3A_241] : memref<200x64xf32, #tpu.memory_space<vmem>> -> memref<50x64xf32, #tpu.memory_space<vmem>>
    tpu.wait_dma2 semaphore(%arg12 : memref<!tpu.dma_semaphore, #tpu.memory_space<semaphore_mem>>) src(%dma_wait3A_242 : memref<50x64xf32, #tpu.memory_space<vmem>>) dst(%dma_wait3A_235 : memref<50x64xf32, #tpu.memory_space<hbm>>)
    %add3A_243 = arith.constant 504 : i32
    %add3A_244 = arith.addi %mul3A_4, %add3A_243 : i32
    %add3A_245 = arith.constant 0 : i32
    %add3A_246 = arith.addi %add3A_244, %add3A_245 : i32
    %dma_wait3A_247 = arith.constant 2 : i32
    %dma_wait3A_248 = arith.constant 0 : i32
    %dma_wait3A_249 = arith.constant 0 : i32
    %dma_wait3A_250 = tpu.memref_slice %arg6[%dma_wait3A_247, %dma_wait3A_248, %dma_wait3A_249] : memref<4x200x64xf32, #tpu.memory_space<vmem>> -> memref<1x200x64xf32, #tpu.memory_space<vmem>>
    %dma_wait3A_251 = tpu.memref_squeeze %dma_wait3A_250 : memref<1x200x64xf32, #tpu.memory_space<vmem>> -> memref<200x64xf32, #tpu.memory_space<vmem>>
    %dma_wait3A_252 = arith.constant 0 : i32
    %dma_wait3A_253 = arith.constant 0 : i32
    %dma_wait3A_254 = tpu.memref_slice %dma_wait3A_251[%dma_wait3A_252, %dma_wait3A_253] : memref<200x64xf32, #tpu.memory_space<vmem>> -> memref<50x64xf32, #tpu.memory_space<vmem>>
    %dma_wait3A_255 = arith.constant 0 : i32
    %dma_wait3A_256 = arith.constant 0 : i32
    %dma_wait3A_257 = tpu.memref_slice %arg4[%add3A_246, %dma_wait3A_255, %dma_wait3A_256] : memref<16384x56x128xf32, #tpu.memory_space<hbm>> -> memref<1x50x64xf32, #tpu.memory_space<hbm>>
    %dma_wait3A_258 = tpu.memref_squeeze %dma_wait3A_257 : memref<1x50x64xf32, #tpu.memory_space<hbm>> -> memref<50x64xf32, #tpu.memory_space<hbm>>
    %dma_wait3A_259 = arith.constant 0 : i32
    %dma_wait3A_260 = arith.constant 0 : i32
    %dma_wait3A_261 = tpu.memref_slice %arg4[%add3A_246, %dma_wait3A_259, %dma_wait3A_260] : memref<16384x56x128xf32, #tpu.memory_space<hbm>> -> memref<1x50x64xf32, #tpu.memory_space<hbm>>
    %dma_wait3A_262 = tpu.memref_squeeze %dma_wait3A_261 : memref<1x50x64xf32, #tpu.memory_space<hbm>> -> memref<50x64xf32, #tpu.memory_space<hbm>>
    %dma_wait3A_263 = arith.constant 0 : i32
    %dma_wait3A_264 = arith.constant 0 : i32
    %dma_wait3A_265 = tpu.memref_slice %arg6[%dma_wait3A_247, %dma_wait3A_263, %dma_wait3A_264] : memref<4x200x64xf32, #tpu.memory_space<vmem>> -> memref<1x200x64xf32, #tpu.memory_space<vmem>>
    %dma_wait3A_266 = tpu.memref_squeeze %dma_wait3A_265 : memref<1x200x64xf32, #tpu.memory_space<vmem>> -> memref<200x64xf32, #tpu.memory_space<vmem>>
    %dma_wait3A_267 = arith.constant 0 : i32
    %dma_wait3A_268 = arith.constant 0 : i32
    %dma_wait3A_269 = tpu.memref_slice %dma_wait3A_266[%dma_wait3A_267, %dma_wait3A_268] : memref<200x64xf32, #tpu.memory_space<vmem>> -> memref<50x64xf32, #tpu.memory_space<vmem>>
    tpu.wait_dma2 semaphore(%arg13 : memref<!tpu.dma_semaphore, #tpu.memory_space<semaphore_mem>>) src(%dma_wait3A_269 : memref<50x64xf32, #tpu.memory_space<vmem>>) dst(%dma_wait3A_262 : memref<50x64xf32, #tpu.memory_space<hbm>>)
    %add3A_270 = arith.constant 504 : i32
    %add3A_271 = arith.addi %mul3A_4, %add3A_270 : i32
    %add3A_272 = arith.constant 1 : i32
    %add3A_273 = arith.addi %add3A_271, %add3A_272 : i32
    %dma_wait3A_274 = arith.constant 2 : i32
    %dma_wait3A_275 = arith.constant 0 : i32
    %dma_wait3A_276 = arith.constant 0 : i32
    %dma_wait3A_277 = tpu.memref_slice %arg6[%dma_wait3A_274, %dma_wait3A_275, %dma_wait3A_276] : memref<4x200x64xf32, #tpu.memory_space<vmem>> -> memref<1x200x64xf32, #tpu.memory_space<vmem>>
    %dma_wait3A_278 = tpu.memref_squeeze %dma_wait3A_277 : memref<1x200x64xf32, #tpu.memory_space<vmem>> -> memref<200x64xf32, #tpu.memory_space<vmem>>
    %dma_wait3A_279 = arith.constant 50 : i32
    %dma_wait3A_280 = arith.constant 0 : i32
    %dma_wait3A_281 = tpu.memref_slice %dma_wait3A_278[%dma_wait3A_279, %dma_wait3A_280] : memref<200x64xf32, #tpu.memory_space<vmem>> -> memref<50x64xf32, #tpu.memory_space<vmem>>
    %dma_wait3A_282 = arith.constant 0 : i32
    %dma_wait3A_283 = arith.constant 0 : i32
    %dma_wait3A_284 = tpu.memref_slice %arg4[%add3A_273, %dma_wait3A_282, %dma_wait3A_283] : memref<16384x56x128xf32, #tpu.memory_space<hbm>> -> memref<1x50x64xf32, #tpu.memory_space<hbm>>
    %dma_wait3A_285 = tpu.memref_squeeze %dma_wait3A_284 : memref<1x50x64xf32, #tpu.memory_space<hbm>> -> memref<50x64xf32, #tpu.memory_space<hbm>>
    %dma_wait3A_286 = arith.constant 0 : i32
    %dma_wait3A_287 = arith.constant 0 : i32
    %dma_wait3A_288 = tpu.memref_slice %arg4[%add3A_273, %dma_wait3A_286, %dma_wait3A_287] : memref<16384x56x128xf32, #tpu.memory_space<hbm>> -> memref<1x50x64xf32, #tpu.memory_space<hbm>>
    %dma_wait3A_289 = tpu.memref_squeeze %dma_wait3A_288 : memref<1x50x64xf32, #tpu.memory_space<hbm>> -> memref<50x64xf32, #tpu.memory_space<hbm>>
    %dma_wait3A_290 = arith.constant 0 : i32
    %dma_wait3A_291 = arith.constant 0 : i32
    %dma_wait3A_292 = tpu.memref_slice %arg6[%dma_wait3A_274, %dma_wait3A_290, %dma_wait3A_291] : memref<4x200x64xf32, #tpu.memory_space<vmem>> -> memref<1x200x64xf32, #tpu.memory_space<vmem>>
    %dma_wait3A_293 = tpu.memref_squeeze %dma_wait3A_292 : memref<1x200x64xf32, #tpu.memory_space<vmem>> -> memref<200x64xf32, #tpu.memory_space<vmem>>
    %dma_wait3A_294 = arith.constant 50 : i32
    %dma_wait3A_295 = arith.constant 0 : i32
    %dma_wait3A_296 = tpu.memref_slice %dma_wait3A_293[%dma_wait3A_294, %dma_wait3A_295] : memref<200x64xf32, #tpu.memory_space<vmem>> -> memref<50x64xf32, #tpu.memory_space<vmem>>
    tpu.wait_dma2 semaphore(%arg13 : memref<!tpu.dma_semaphore, #tpu.memory_space<semaphore_mem>>) src(%dma_wait3A_296 : memref<50x64xf32, #tpu.memory_space<vmem>>) dst(%dma_wait3A_289 : memref<50x64xf32, #tpu.memory_space<hbm>>)
    %add3A_297 = arith.constant 504 : i32
    %add3A_298 = arith.addi %mul3A_4, %add3A_297 : i32
    %add3A_299 = arith.constant 2 : i32
    %add3A_300 = arith.addi %add3A_298, %add3A_299 : i32
    %dma_wait3A_301 = arith.constant 2 : i32
    %dma_wait3A_302 = arith.constant 0 : i32
    %dma_wait3A_303 = arith.constant 0 : i32
    %dma_wait3A_304 = tpu.memref_slice %arg6[%dma_wait3A_301, %dma_wait3A_302, %dma_wait3A_303] : memref<4x200x64xf32, #tpu.memory_space<vmem>> -> memref<1x200x64xf32, #tpu.memory_space<vmem>>
    %dma_wait3A_305 = tpu.memref_squeeze %dma_wait3A_304 : memref<1x200x64xf32, #tpu.memory_space<vmem>> -> memref<200x64xf32, #tpu.memory_space<vmem>>
    %dma_wait3A_306 = arith.constant 100 : i32
    %dma_wait3A_307 = arith.constant 0 : i32
    %dma_wait3A_308 = tpu.memref_slice %dma_wait3A_305[%dma_wait3A_306, %dma_wait3A_307] : memref<200x64xf32, #tpu.memory_space<vmem>> -> memref<50x64xf32, #tpu.memory_space<vmem>>
    %dma_wait3A_309 = arith.constant 0 : i32
    %dma_wait3A_310 = arith.constant 0 : i32
    %dma_wait3A_311 = tpu.memref_slice %arg4[%add3A_300, %dma_wait3A_309, %dma_wait3A_310] : memref<16384x56x128xf32, #tpu.memory_space<hbm>> -> memref<1x50x64xf32, #tpu.memory_space<hbm>>
    %dma_wait3A_312 = tpu.memref_squeeze %dma_wait3A_311 : memref<1x50x64xf32, #tpu.memory_space<hbm>> -> memref<50x64xf32, #tpu.memory_space<hbm>>
    %dma_wait3A_313 = arith.constant 0 : i32
    %dma_wait3A_314 = arith.constant 0 : i32
    %dma_wait3A_315 = tpu.memref_slice %arg4[%add3A_300, %dma_wait3A_313, %dma_wait3A_314] : memref<16384x56x128xf32, #tpu.memory_space<hbm>> -> memref<1x50x64xf32, #tpu.memory_space<hbm>>
    %dma_wait3A_316 = tpu.memref_squeeze %dma_wait3A_315 : memref<1x50x64xf32, #tpu.memory_space<hbm>> -> memref<50x64xf32, #tpu.memory_space<hbm>>
    %dma_wait3A_317 = arith.constant 0 : i32
    %dma_wait3A_318 = arith.constant 0 : i32
    %dma_wait3A_319 = tpu.memref_slice %arg6[%dma_wait3A_301, %dma_wait3A_317, %dma_wait3A_318] : memref<4x200x64xf32, #tpu.memory_space<vmem>> -> memref<1x200x64xf32, #tpu.memory_space<vmem>>
    %dma_wait3A_320 = tpu.memref_squeeze %dma_wait3A_319 : memref<1x200x64xf32, #tpu.memory_space<vmem>> -> memref<200x64xf32, #tpu.memory_space<vmem>>
    %dma_wait3A_321 = arith.constant 100 : i32
    %dma_wait3A_322 = arith.constant 0 : i32
    %dma_wait3A_323 = tpu.memref_slice %dma_wait3A_320[%dma_wait3A_321, %dma_wait3A_322] : memref<200x64xf32, #tpu.memory_space<vmem>> -> memref<50x64xf32, #tpu.memory_space<vmem>>
    tpu.wait_dma2 semaphore(%arg13 : memref<!tpu.dma_semaphore, #tpu.memory_space<semaphore_mem>>) src(%dma_wait3A_323 : memref<50x64xf32, #tpu.memory_space<vmem>>) dst(%dma_wait3A_316 : memref<50x64xf32, #tpu.memory_space<hbm>>)
    %add3A_324 = arith.constant 504 : i32
    %add3A_325 = arith.addi %mul3A_4, %add3A_324 : i32
    %add3A_326 = arith.constant 3 : i32
    %add3A_327 = arith.addi %add3A_325, %add3A_326 : i32
    %dma_wait3A_328 = arith.constant 2 : i32
    %dma_wait3A_329 = arith.constant 0 : i32
    %dma_wait3A_330 = arith.constant 0 : i32
    %dma_wait3A_331 = tpu.memref_slice %arg6[%dma_wait3A_328, %dma_wait3A_329, %dma_wait3A_330] : memref<4x200x64xf32, #tpu.memory_space<vmem>> -> memref<1x200x64xf32, #tpu.memory_space<vmem>>
    %dma_wait3A_332 = tpu.memref_squeeze %dma_wait3A_331 : memref<1x200x64xf32, #tpu.memory_space<vmem>> -> memref<200x64xf32, #tpu.memory_space<vmem>>
    %dma_wait3A_333 = arith.constant 150 : i32
    %dma_wait3A_334 = arith.constant 0 : i32
    %dma_wait3A_335 = tpu.memref_slice %dma_wait3A_332[%dma_wait3A_333, %dma_wait3A_334] : memref<200x64xf32, #tpu.memory_space<vmem>> -> memref<50x64xf32, #tpu.memory_space<vmem>>
    %dma_wait3A_336 = arith.constant 0 : i32
    %dma_wait3A_337 = arith.constant 0 : i32
    %dma_wait3A_338 = tpu.memref_slice %arg4[%add3A_327, %dma_wait3A_336, %dma_wait3A_337] : memref<16384x56x128xf32, #tpu.memory_space<hbm>> -> memref<1x50x64xf32, #tpu.memory_space<hbm>>
    %dma_wait3A_339 = tpu.memref_squeeze %dma_wait3A_338 : memref<1x50x64xf32, #tpu.memory_space<hbm>> -> memref<50x64xf32, #tpu.memory_space<hbm>>
    %dma_wait3A_340 = arith.constant 0 : i32
    %dma_wait3A_341 = arith.constant 0 : i32
    %dma_wait3A_342 = tpu.memref_slice %arg4[%add3A_327, %dma_wait3A_340, %dma_wait3A_341] : memref<16384x56x128xf32, #tpu.memory_space<hbm>> -> memref<1x50x64xf32, #tpu.memory_space<hbm>>
    %dma_wait3A_343 = tpu.memref_squeeze %dma_wait3A_342 : memref<1x50x64xf32, #tpu.memory_space<hbm>> -> memref<50x64xf32, #tpu.memory_space<hbm>>
    %dma_wait3A_344 = arith.constant 0 : i32
    %dma_wait3A_345 = arith.constant 0 : i32
    %dma_wait3A_346 = tpu.memref_slice %arg6[%dma_wait3A_328, %dma_wait3A_344, %dma_wait3A_345] : memref<4x200x64xf32, #tpu.memory_space<vmem>> -> memref<1x200x64xf32, #tpu.memory_space<vmem>>
    %dma_wait3A_347 = tpu.memref_squeeze %dma_wait3A_346 : memref<1x200x64xf32, #tpu.memory_space<vmem>> -> memref<200x64xf32, #tpu.memory_space<vmem>>
    %dma_wait3A_348 = arith.constant 150 : i32
    %dma_wait3A_349 = arith.constant 0 : i32
    %dma_wait3A_350 = tpu.memref_slice %dma_wait3A_347[%dma_wait3A_348, %dma_wait3A_349] : memref<200x64xf32, #tpu.memory_space<vmem>> -> memref<50x64xf32, #tpu.memory_space<vmem>>
    tpu.wait_dma2 semaphore(%arg13 : memref<!tpu.dma_semaphore, #tpu.memory_space<semaphore_mem>>) src(%dma_wait3A_350 : memref<50x64xf32, #tpu.memory_space<vmem>>) dst(%dma_wait3A_343 : memref<50x64xf32, #tpu.memory_space<hbm>>)
    %add3A_351 = arith.constant 508 : i32
    %add3A_352 = arith.addi %mul3A_4, %add3A_351 : i32
    %add3A_353 = arith.constant 0 : i32
    %add3A_354 = arith.addi %add3A_352, %add3A_353 : i32
    %dma_wait3A_355 = arith.constant 3 : i32
    %dma_wait3A_356 = arith.constant 0 : i32
    %dma_wait3A_357 = arith.constant 0 : i32
    %dma_wait3A_358 = tpu.memref_slice %arg6[%dma_wait3A_355, %dma_wait3A_356, %dma_wait3A_357] : memref<4x200x64xf32, #tpu.memory_space<vmem>> -> memref<1x200x64xf32, #tpu.memory_space<vmem>>
    %dma_wait3A_359 = tpu.memref_squeeze %dma_wait3A_358 : memref<1x200x64xf32, #tpu.memory_space<vmem>> -> memref<200x64xf32, #tpu.memory_space<vmem>>
    %dma_wait3A_360 = arith.constant 0 : i32
    %dma_wait3A_361 = arith.constant 0 : i32
    %dma_wait3A_362 = tpu.memref_slice %dma_wait3A_359[%dma_wait3A_360, %dma_wait3A_361] : memref<200x64xf32, #tpu.memory_space<vmem>> -> memref<50x64xf32, #tpu.memory_space<vmem>>
    %dma_wait3A_363 = arith.constant 0 : i32
    %dma_wait3A_364 = arith.constant 0 : i32
    %dma_wait3A_365 = tpu.memref_slice %arg4[%add3A_354, %dma_wait3A_363, %dma_wait3A_364] : memref<16384x56x128xf32, #tpu.memory_space<hbm>> -> memref<1x50x64xf32, #tpu.memory_space<hbm>>
    %dma_wait3A_366 = tpu.memref_squeeze %dma_wait3A_365 : memref<1x50x64xf32, #tpu.memory_space<hbm>> -> memref<50x64xf32, #tpu.memory_space<hbm>>
    %dma_wait3A_367 = arith.constant 0 : i32
    %dma_wait3A_368 = arith.constant 0 : i32
    %dma_wait3A_369 = tpu.memref_slice %arg4[%add3A_354, %dma_wait3A_367, %dma_wait3A_368] : memref<16384x56x128xf32, #tpu.memory_space<hbm>> -> memref<1x50x64xf32, #tpu.memory_space<hbm>>
    %dma_wait3A_370 = tpu.memref_squeeze %dma_wait3A_369 : memref<1x50x64xf32, #tpu.memory_space<hbm>> -> memref<50x64xf32, #tpu.memory_space<hbm>>
    %dma_wait3A_371 = arith.constant 0 : i32
    %dma_wait3A_372 = arith.constant 0 : i32
    %dma_wait3A_373 = tpu.memref_slice %arg6[%dma_wait3A_355, %dma_wait3A_371, %dma_wait3A_372] : memref<4x200x64xf32, #tpu.memory_space<vmem>> -> memref<1x200x64xf32, #tpu.memory_space<vmem>>
    %dma_wait3A_374 = tpu.memref_squeeze %dma_wait3A_373 : memref<1x200x64xf32, #tpu.memory_space<vmem>> -> memref<200x64xf32, #tpu.memory_space<vmem>>
    %dma_wait3A_375 = arith.constant 0 : i32
    %dma_wait3A_376 = arith.constant 0 : i32
    %dma_wait3A_377 = tpu.memref_slice %dma_wait3A_374[%dma_wait3A_375, %dma_wait3A_376] : memref<200x64xf32, #tpu.memory_space<vmem>> -> memref<50x64xf32, #tpu.memory_space<vmem>>
    tpu.wait_dma2 semaphore(%arg14 : memref<!tpu.dma_semaphore, #tpu.memory_space<semaphore_mem>>) src(%dma_wait3A_377 : memref<50x64xf32, #tpu.memory_space<vmem>>) dst(%dma_wait3A_370 : memref<50x64xf32, #tpu.memory_space<hbm>>)
    %add3A_378 = arith.constant 508 : i32
    %add3A_379 = arith.addi %mul3A_4, %add3A_378 : i32
    %add3A_380 = arith.constant 1 : i32
    %add3A_381 = arith.addi %add3A_379, %add3A_380 : i32
    %dma_wait3A_382 = arith.constant 3 : i32
    %dma_wait3A_383 = arith.constant 0 : i32
    %dma_wait3A_384 = arith.constant 0 : i32
    %dma_wait3A_385 = tpu.memref_slice %arg6[%dma_wait3A_382, %dma_wait3A_383, %dma_wait3A_384] : memref<4x200x64xf32, #tpu.memory_space<vmem>> -> memref<1x200x64xf32, #tpu.memory_space<vmem>>
    %dma_wait3A_386 = tpu.memref_squeeze %dma_wait3A_385 : memref<1x200x64xf32, #tpu.memory_space<vmem>> -> memref<200x64xf32, #tpu.memory_space<vmem>>
    %dma_wait3A_387 = arith.constant 50 : i32
    %dma_wait3A_388 = arith.constant 0 : i32
    %dma_wait3A_389 = tpu.memref_slice %dma_wait3A_386[%dma_wait3A_387, %dma_wait3A_388] : memref<200x64xf32, #tpu.memory_space<vmem>> -> memref<50x64xf32, #tpu.memory_space<vmem>>
    %dma_wait3A_390 = arith.constant 0 : i32
    %dma_wait3A_391 = arith.constant 0 : i32
    %dma_wait3A_392 = tpu.memref_slice %arg4[%add3A_381, %dma_wait3A_390, %dma_wait3A_391] : memref<16384x56x128xf32, #tpu.memory_space<hbm>> -> memref<1x50x64xf32, #tpu.memory_space<hbm>>
    %dma_wait3A_393 = tpu.memref_squeeze %dma_wait3A_392 : memref<1x50x64xf32, #tpu.memory_space<hbm>> -> memref<50x64xf32, #tpu.memory_space<hbm>>
    %dma_wait3A_394 = arith.constant 0 : i32
    %dma_wait3A_395 = arith.constant 0 : i32
    %dma_wait3A_396 = tpu.memref_slice %arg4[%add3A_381, %dma_wait3A_394, %dma_wait3A_395] : memref<16384x56x128xf32, #tpu.memory_space<hbm>> -> memref<1x50x64xf32, #tpu.memory_space<hbm>>
    %dma_wait3A_397 = tpu.memref_squeeze %dma_wait3A_396 : memref<1x50x64xf32, #tpu.memory_space<hbm>> -> memref<50x64xf32, #tpu.memory_space<hbm>>
    %dma_wait3A_398 = arith.constant 0 : i32
    %dma_wait3A_399 = arith.constant 0 : i32
    %dma_wait3A_400 = tpu.memref_slice %arg6[%dma_wait3A_382, %dma_wait3A_398, %dma_wait3A_399] : memref<4x200x64xf32, #tpu.memory_space<vmem>> -> memref<1x200x64xf32, #tpu.memory_space<vmem>>
    %dma_wait3A_401 = tpu.memref_squeeze %dma_wait3A_400 : memref<1x200x64xf32, #tpu.memory_space<vmem>> -> memref<200x64xf32, #tpu.memory_space<vmem>>
    %dma_wait3A_402 = arith.constant 50 : i32
    %dma_wait3A_403 = arith.constant 0 : i32
    %dma_wait3A_404 = tpu.memref_slice %dma_wait3A_401[%dma_wait3A_402, %dma_wait3A_403] : memref<200x64xf32, #tpu.memory_space<vmem>> -> memref<50x64xf32, #tpu.memory_space<vmem>>
    tpu.wait_dma2 semaphore(%arg14 : memref<!tpu.dma_semaphore, #tpu.memory_space<semaphore_mem>>) src(%dma_wait3A_404 : memref<50x64xf32, #tpu.memory_space<vmem>>) dst(%dma_wait3A_397 : memref<50x64xf32, #tpu.memory_space<hbm>>)
    %add3A_405 = arith.constant 508 : i32
    %add3A_406 = arith.addi %mul3A_4, %add3A_405 : i32
    %add3A_407 = arith.constant 2 : i32
    %add3A_408 = arith.addi %add3A_406, %add3A_407 : i32
    %dma_wait3A_409 = arith.constant 3 : i32
    %dma_wait3A_410 = arith.constant 0 : i32
    %dma_wait3A_411 = arith.constant 0 : i32
    %dma_wait3A_412 = tpu.memref_slice %arg6[%dma_wait3A_409, %dma_wait3A_410, %dma_wait3A_411] : memref<4x200x64xf32, #tpu.memory_space<vmem>> -> memref<1x200x64xf32, #tpu.memory_space<vmem>>
    %dma_wait3A_413 = tpu.memref_squeeze %dma_wait3A_412 : memref<1x200x64xf32, #tpu.memory_space<vmem>> -> memref<200x64xf32, #tpu.memory_space<vmem>>
    %dma_wait3A_414 = arith.constant 100 : i32
    %dma_wait3A_415 = arith.constant 0 : i32
    %dma_wait3A_416 = tpu.memref_slice %dma_wait3A_413[%dma_wait3A_414, %dma_wait3A_415] : memref<200x64xf32, #tpu.memory_space<vmem>> -> memref<50x64xf32, #tpu.memory_space<vmem>>
    %dma_wait3A_417 = arith.constant 0 : i32
    %dma_wait3A_418 = arith.constant 0 : i32
    %dma_wait3A_419 = tpu.memref_slice %arg4[%add3A_408, %dma_wait3A_417, %dma_wait3A_418] : memref<16384x56x128xf32, #tpu.memory_space<hbm>> -> memref<1x50x64xf32, #tpu.memory_space<hbm>>
    %dma_wait3A_420 = tpu.memref_squeeze %dma_wait3A_419 : memref<1x50x64xf32, #tpu.memory_space<hbm>> -> memref<50x64xf32, #tpu.memory_space<hbm>>
    %dma_wait3A_421 = arith.constant 0 : i32
    %dma_wait3A_422 = arith.constant 0 : i32
    %dma_wait3A_423 = tpu.memref_slice %arg4[%add3A_408, %dma_wait3A_421, %dma_wait3A_422] : memref<16384x56x128xf32, #tpu.memory_space<hbm>> -> memref<1x50x64xf32, #tpu.memory_space<hbm>>
    %dma_wait3A_424 = tpu.memref_squeeze %dma_wait3A_423 : memref<1x50x64xf32, #tpu.memory_space<hbm>> -> memref<50x64xf32, #tpu.memory_space<hbm>>
    %dma_wait3A_425 = arith.constant 0 : i32
    %dma_wait3A_426 = arith.constant 0 : i32
    %dma_wait3A_427 = tpu.memref_slice %arg6[%dma_wait3A_409, %dma_wait3A_425, %dma_wait3A_426] : memref<4x200x64xf32, #tpu.memory_space<vmem>> -> memref<1x200x64xf32, #tpu.memory_space<vmem>>
    %dma_wait3A_428 = tpu.memref_squeeze %dma_wait3A_427 : memref<1x200x64xf32, #tpu.memory_space<vmem>> -> memref<200x64xf32, #tpu.memory_space<vmem>>
    %dma_wait3A_429 = arith.constant 100 : i32
    %dma_wait3A_430 = arith.constant 0 : i32
    %dma_wait3A_431 = tpu.memref_slice %dma_wait3A_428[%dma_wait3A_429, %dma_wait3A_430] : memref<200x64xf32, #tpu.memory_space<vmem>> -> memref<50x64xf32, #tpu.memory_space<vmem>>
    tpu.wait_dma2 semaphore(%arg14 : memref<!tpu.dma_semaphore, #tpu.memory_space<semaphore_mem>>) src(%dma_wait3A_431 : memref<50x64xf32, #tpu.memory_space<vmem>>) dst(%dma_wait3A_424 : memref<50x64xf32, #tpu.memory_space<hbm>>)
    %add3A_432 = arith.constant 508 : i32
    %add3A_433 = arith.addi %mul3A_4, %add3A_432 : i32
    %add3A_434 = arith.constant 3 : i32
    %add3A_435 = arith.addi %add3A_433, %add3A_434 : i32
    %dma_wait3A_436 = arith.constant 3 : i32
    %dma_wait3A_437 = arith.constant 0 : i32
    %dma_wait3A_438 = arith.constant 0 : i32
    %dma_wait3A_439 = tpu.memref_slice %arg6[%dma_wait3A_436, %dma_wait3A_437, %dma_wait3A_438] : memref<4x200x64xf32, #tpu.memory_space<vmem>> -> memref<1x200x64xf32, #tpu.memory_space<vmem>>
    %dma_wait3A_440 = tpu.memref_squeeze %dma_wait3A_439 : memref<1x200x64xf32, #tpu.memory_space<vmem>> -> memref<200x64xf32, #tpu.memory_space<vmem>>
    %dma_wait3A_441 = arith.constant 150 : i32
    %dma_wait3A_442 = arith.constant 0 : i32
    %dma_wait3A_443 = tpu.memref_slice %dma_wait3A_440[%dma_wait3A_441, %dma_wait3A_442] : memref<200x64xf32, #tpu.memory_space<vmem>> -> memref<50x64xf32, #tpu.memory_space<vmem>>
    %dma_wait3A_444 = arith.constant 0 : i32
    %dma_wait3A_445 = arith.constant 0 : i32
    %dma_wait3A_446 = tpu.memref_slice %arg4[%add3A_435, %dma_wait3A_444, %dma_wait3A_445] : memref<16384x56x128xf32, #tpu.memory_space<hbm>> -> memref<1x50x64xf32, #tpu.memory_space<hbm>>
    %dma_wait3A_447 = tpu.memref_squeeze %dma_wait3A_446 : memref<1x50x64xf32, #tpu.memory_space<hbm>> -> memref<50x64xf32, #tpu.memory_space<hbm>>
    %dma_wait3A_448 = arith.constant 0 : i32
    %dma_wait3A_449 = arith.constant 0 : i32
    %dma_wait3A_450 = tpu.memref_slice %arg4[%add3A_435, %dma_wait3A_448, %dma_wait3A_449] : memref<16384x56x128xf32, #tpu.memory_space<hbm>> -> memref<1x50x64xf32, #tpu.memory_space<hbm>>
    %dma_wait3A_451 = tpu.memref_squeeze %dma_wait3A_450 : memref<1x50x64xf32, #tpu.memory_space<hbm>> -> memref<50x64xf32, #tpu.memory_space<hbm>>
    %dma_wait3A_452 = arith.constant 0 : i32
    %dma_wait3A_453 = arith.constant 0 : i32
    %dma_wait3A_454 = tpu.memref_slice %arg6[%dma_wait3A_436, %dma_wait3A_452, %dma_wait3A_453] : memref<4x200x64xf32, #tpu.memory_space<vmem>> -> memref<1x200x64xf32, #tpu.memory_space<vmem>>
    %dma_wait3A_455 = tpu.memref_squeeze %dma_wait3A_454 : memref<1x200x64xf32, #tpu.memory_space<vmem>> -> memref<200x64xf32, #tpu.memory_space<vmem>>
    %dma_wait3A_456 = arith.constant 150 : i32
    %dma_wait3A_457 = arith.constant 0 : i32
    %dma_wait3A_458 = tpu.memref_slice %dma_wait3A_455[%dma_wait3A_456, %dma_wait3A_457] : memref<200x64xf32, #tpu.memory_space<vmem>> -> memref<50x64xf32, #tpu.memory_space<vmem>>
    tpu.wait_dma2 semaphore(%arg14 : memref<!tpu.dma_semaphore, #tpu.memory_space<semaphore_mem>>) src(%dma_wait3A_458 : memref<50x64xf32, #tpu.memory_space<vmem>>) dst(%dma_wait3A_451 : memref<50x64xf32, #tpu.memory_space<hbm>>)
    return
  }
}

</mosaic_0001>

<sc_bundles>
// kernel: kernel.3.cloned.1.call-start
scs
__scs_entry_jumppad:
0x0: {  	(pc) =	sbr.rel $0x88, $3  }
0x1: {  	(tag) =	ssettag $0x0;
	lr =	simm.s32 $0x1  }
0x2: {  	[smem:$0x3F9F] =	sst lr;
	_ =	strace $0xD0000000  }
0x3: {  	_ = 	snop  }
0x4: {  	_ = 	snop  }
0x5: {  	_ = 	snop  }
0x6: {  	_ = 	snop  }
0x7: {  	_ = 	snop  }
__scs_overlays_trampoline_lowered:
0x8: {  	[smem:$0x3FAE] =	sst s0  }
0x9: {  	[smem:$0x3FAF] =	sst s1  }
0xa: {  	[smem:$0x3FB0] =	sst s2  }
0xb: {  	[smem:$0x3FB1] =	sst s3  }
0xc: {  	[smem:$0x3FB2] =	sst s4  }
0xd: {  	[smem:$0x3FB3] =	sst s5  }
0xe: {  	[smem:$0x3FB4] =	sst s6  }
0xf: {  	[smem:$0x3FB5] =	sst s7  }
0x10: {  	[smem:$0x3FB6] =	sst s8  }
0x11: {  	[smem:$0x3FB7] =	sst s9;
	s0 =	simm.s32 @!p0 $0x0  }
0x12: {  	s1 =	sld [smem:$0x3F9D];
	s0 =	simm.s32 @p0 $0x1  }
0x13: {  	[smem:$0x3FB8] =	sst s0;
	s0 =	simm.s32 @!p1 $0x0  }
0x14: {  	s2 =	sld [smem:$0x3F9C];
	s0 =	simm.s32 @p1 $0x1  }
0x15: {  	[smem:$0x3FB9] =	sst s0;
	s0 =	simm.s32 @!p2 $0x0  }
0x16: {  	s3 =	sld [smem:$0x3FDB];
	s0 =	simm.s32 @p2 $0x1  }
0x17: {  	s4 =	simm.s32 $0x1BF5;
	[smem:$0x3FBB] =	sst s0  }
0x18: {  	s0 =	sld [smem:$0x3F9E];
	_ =	swait.ge [sflag:s4], $0x0  }
0x19: {  	s7 =	sld [smem:$0x3F9F]  }
0x1a: {  	s8 =	sadd.s32 $0xFFFFE003, lr  }
0x1b: {  	s9 =	sadd.s32 $0xFFFFFEF7, lr;
	s5 =	simm.s32 $0xFFFFFFFF;
	p2 =	slt.u32 s8, $0xFFFFF086  }
0x1c: {  	p1 =	slt.u32 s9, $0xF7A;
	s5 =	simm.s32 @!p2 $0x0  }
0x1d: {  	s5 =	simm.s32 @p1 $0x1;
	p0 =	seq.s32 s7, s2  }
0x1e: {  	s7 =	smul.u32 @!p0 $0xF7A, s2;
	p2 =	seq.s32 @!p0 s5, $0x0  }
0x1f: {  	s9 =	smul.u32 $0xF7A, s1;
	s8 =	simm.s32 @!p0 $0x1BF5;
	p2 =	por !p2, p0  }
0x20: {  	[sflag:s8] =	ssyncset.s32 @!p0 $0xFFFFF086;
	s6 =	sadd.s32 @!p0 s3, s7;
	s7 =	simm.s32 @!p0 $0x108  }
0x21: {  	s3 =	sadd.s32 s3, s9;
	s6 =	sadd.s32 @!p0 $0x88, s6;
	s7 =	simm.s32 @p2 $0x1082  }
0x22: {  	[simem:s7], [sflag:s8] =	dma.local @!p0 [hbm:s6], $0xF7A  }
0x23: {  	s9 =	sor.u32 $0xD0000000, s2;
	s6 =	simm.s32 $0x108;
	_ =	swait.ge @!p0 [sflag:s8], $0x0  }
0x24: {  	s3 =	sadd.s32 $0x88, s3;
	s6 =	simm.s32 @!p1 $0x1082;
	[sflag:s4] =	ssyncset.s32 $0xFFFFF086  }
0x25: {  	[simem:s6], [sflag:s4] =	dma.local [hbm:s3], $0xF7A  }
0x26: {  	[smem:$0x3F9F] =	sst s1;
	(tag) =	ssettag s2;
	_ =	strace s9  }
0x27: {  	s1 =	sld [smem:$0x3FAF]  }
0x28: {  	s2 =	sld [smem:$0x3FB0]  }
0x29: {  	s4 =	sld [smem:$0x3FB2]  }
0x2a: {  	p0 =	seq.s32 s5, $0x0;
	s5 =	sld [smem:$0x3FB3]  }
0x2b: {  	s6 =	sld [smem:$0x3FB4]  }
0x2c: {  	s7 =	sld [smem:$0x3FB5]  }
0x2d: {  	s3 =	simm.s32 $0x108;
	s8 =	sld [smem:$0x3FB6]  }
0x2e: {  	s3 =	simm.s32 @!p0 $0x1082;
	s9 =	sld [smem:$0x3FB7]  }
0x2f: {  	lr =	sadd.s32 s0, s3;
	s0 =	sld [smem:$0x3FAE]  }
0x30: {  	s3 =	sld [smem:$0x3FB1]  }
0x31: {  	[smem:$0x3FBA] =	sst s10  }
0x32: {  	s10 =	sld [smem:$0x3FB8];
	_ =	sdelay $0x3  }
0x33: {  	p0 =	seq.s32 s10, $0x1;
	s10 =	sld [smem:$0x3FBA];
	_ =	sdelay $0x3  }
0x34: {  	[smem:$0x3FBA] =	sst s10  }
0x35: {  	s10 =	sld [smem:$0x3FB9];
	_ =	sdelay $0x3  }
0x36: {  	p1 =	seq.s32 s10, $0x1;
	s10 =	sld [smem:$0x3FBA];
	_ =	sdelay $0x3  }
0x37: {  	[smem:$0x3FBA] =	sst s10  }
0x38: {  	s10 =	sld [smem:$0x3FBB]  }
0x39: {  	_ = 	snop;
	(pc) =	sbr.ind lr, $3  }
0x3a: {  	_ = 	snop  }
0x3b: {  	_ = 	snop  }
0x3c: {  	p2 =	seq.s32 s10, $0x1;
	s10 =	sld [smem:$0x3FBA]  }
0x3d: {  	_ =	shalt  }
0x3e: {  	_ =	shalt  }
0x3f: {  	_ =	shalt  }
0x40: {  	_ =	shalt  }
0x41: {  	_ =	shalt  }
0x42: {  	_ =	shalt  }
0x43: {  	_ =	shalt  }
0x44: {  	_ =	shalt  }
0x45: {  	_ =	shalt  }
0x46: {  	_ =	shalt  }
0x47: {  	_ =	shalt  }
0x48: {  	_ =	shalt  }
0x49: {  	_ =	shalt  }
0x4a: {  	_ =	shalt  }
0x4b: {  	_ =	shalt  }
0x4c: {  	_ =	shalt  }
0x4d: {  	_ =	shalt  }
0x4e: {  	_ =	shalt  }
0x4f: {  	_ =	shalt  }
0x50: {  	_ =	shalt  }
0x51: {  	_ =	shalt  }
0x52: {  	_ =	shalt  }
0x53: {  	_ =	shalt  }
0x54: {  	_ =	shalt  }
0x55: {  	_ =	shalt  }
0x56: {  	_ =	shalt  }
0x57: {  	_ =	shalt  }
0x58: {  	_ =	shalt  }
0x59: {  	_ =	shalt  }
0x5a: {  	_ =	shalt  }
0x5b: {  	_ =	shalt  }
0x5c: {  	_ =	shalt  }
0x5d: {  	_ =	shalt  }
0x5e: {  	_ =	shalt  }
0x5f: {  	_ =	shalt  }
0x60: {  	_ =	shalt  }
0x61: {  	_ =	shalt  }
0x62: {  	_ =	shalt  }
0x63: {  	_ =	shalt  }
0x64: {  	_ =	shalt  }
0x65: {  	_ =	shalt  }
0x66: {  	_ =	shalt  }
0x67: {  	_ =	shalt  }
0x68: {  	_ =	shalt  }
0x69: {  	_ =	shalt  }
0x6a: {  	_ =	shalt  }
0x6b: {  	_ =	shalt  }
0x6c: {  	_ =	shalt  }
0x6d: {  	_ =	shalt  }
0x6e: {  	_ =	shalt  }
0x6f: {  	_ =	shalt  }
0x70: {  	_ =	shalt  }
0x71: {  	_ =	shalt  }
0x72: {  	_ =	shalt  }
0x73: {  	_ =	shalt  }
0x74: {  	_ =	shalt  }
0x75: {  	_ =	shalt  }
0x76: {  	_ =	shalt  }
0x77: {  	_ =	shalt  }
0x78: {  	_ =	shalt  }
0x79: {  	_ =	shalt  }
0x7a: {  	_ =	shalt  }
0x7b: {  	_ =	shalt  }
0x7c: {  	_ =	shalt  }
0x7d: {  	_ =	shalt  }
0x7e: {  	_ =	shalt  }
0x7f: {  	_ =	shalt  }
0x80: {  	_ =	shalt  }
0x81: {  	_ =	shalt  }
0x82: {  	_ =	shalt  }
0x83: {  	_ =	shalt  }
0x84: {  	_ =	shalt  }
0x85: {  	_ =	shalt  }
0x86: {  	_ =	shalt  }
0x87: {  	_ =	shalt  }
.Lfunc_end0:
.L_simem_size_0:
called_computation.1_lowered:
.L_overlay_start_0:
0x88: {  	s2 =	sld [smem:$0x3FD9]  }
0x89: {  	s3 =	sld [smem:$0x3FFE];
	_ =	sdelay $0x1  }
0x8a: {  	s1 =	srdreg.scid  }
0x8b: {  	s0 =	sand.u32 $0x1, s1  }
0x8c: {  	s17 =	sshll.u32 s0, $0xA;
	s2 =	sadd.s32 s3, s2  }
0x8d: {  	s2 =	sadd.s32 s2, s17  }
0x8e: {  	[smem:$0x3FC6] =	sst s2  }
0x8f: {  	_ = 	snop  }
0x90: {  	s2 =	sld [smem:$0x3FD0];
	(tm) =	ssettm $0x1  }
0x91: {  	s18 =	sld [smem:$0x3FFB];
	_ =	sdelay $0x3  }
0x92: {  	_ =	strace s18  }
0x93: {  	s3 =	sld [smem:$0x3FFC];
	_ =	sdelay $0x3  }
0x94: {  	_ =	strace s3  }
0x95: {  	s3 =	sld [smem:$0x3FFD];
	_ =	sdelay $0x3  }
0x96: {  	_ =	strace s3  }
0x97: {  	_ =	strace $0x8FFFFFFF  }
0x98: {  	s19 =	sld [smem:$0x3FDB];
	_ =	sdelay $0x1  }
0x99: {  	s4 =	simm.s32 $_scs_section_size  }
0x9a: {  	s5 =	simm.s32 $_size__tile_overlayer_lowered;
	s6 =	simm.s32 $_tile_overlayer_lowered  }
0x9b: {  	s22 =	simm.s32 $0x1BFF;
	s21 =	sshll.u32 s6, $0x1;
	s3 =	sadd.s32 s4, s19  }
0x9c: {  	s7 =	simm.s32 $0x0;
	s20 =	sshll.u32 s5, $0x1;
	s5 =	sadd.s32 s21, s3  }
0x9d: {  	[timem:s7], [sflag:s22] =	dma.local [hbm:s5], s20  }
0x9e: {  	_ =	swait.ge [sflag:s22], s20  }
0x9f: {  	s4 =	ssub.s32 $0x0, s20;
	[sflag:s22] =	ssyncset.done $0x0  }
0xa0: {  	[sflag:s22] =	ssyncadd.s32 s4;
	_ =	sdelay $0x1  }
0xa1: {  	s23 =	simm.s32 $0x1B8B  }
0xa2: {  	_ =	swait.ge [sflag:s23], $0x1  }
0xa3: {  	[sflag:s23] =	ssyncset.done $0x0  }
0xa4: {  	s25 =	simm.s32 $0x1B8E;
	s24 =	sld [smem:$0x3FFE];
	[sflag:s23] =	ssyncadd.s32 $0xFFFFFFFF  }
0xa5: {  	s26 =	simm.s32 $execute0_lowered;
	[smem:$0x3FD2] =	sst s25  }
0xa6: {  	s5 =	sshll.u32 s26, $0x1;
	_ =	strace $0x80000046;
	[dreg:$0x1] =	wrdreg $0xFFFFFFFF  }
0xa7: {  	s28 =	simm.s32 $_size_execute0_lowered;
	s3 =	sadd.s32 s3, s5;
	[dreg:$0x0] =	wrdreg $0x0  }
0xa8: {  	s5 =	sshll.u32 s28, $0x1;
	[dreg:$0x2] =	wrdreg s3  }
0xa9: {  	[dreg:$0x3] =	wrdreg s5  }
0xaa: {  	[dreg:$0x4] =	wrdreg $0xC0  }
0xab: {  	_ =	task [dreg:s7], $0x5FFFF  }
0xac: {  	[dreg:$0x1] =	wrdreg $0xFFFFFFFF  }
0xad: {  	[dreg:$0x0] =	wrdreg $0x60  }
0xae: {  	[dreg:$0x2] =	wrdreg s2  }
0xaf: {  	[dreg:$0x3] =	wrdreg s24  }
0xb0: {  	[dreg:$0x4] =	wrdreg $0x9  }
0xb1: {  	_ =	task.clear_ibuf [dreg:s7], $0x5FFFF;
	_ =	strace $0x90000046  }
0xb2: {  	s29 =	simm.s32 $0x9;
	_ =	strace $0x80000048  }
0xb3: {  	_ =	swait.ge [sflag:s29], $0x1  }
0xb4: {  	[sflag:s29] =	ssyncadd.s32 $0xFFFFFFFF  }
0xb5: {  	_ =	strace $0x90000048  }
0xb6: {  	_ =	sfence  }
0xb7: {  	s30 =	sld [smem:$0x0];
	_ =	sdelay $0x2  }
0xb8: {  	s31 =	sshll.u32 s1, $0xD;
	s1 =	sshrl.u32 s1, $0x2  }
0xb9: {  	s3 =	sand.u32 $0x4000, s31;
	s1 =	sadd.s32 s1, s30  }
0xba: {  	s0 =	sor.u32 s3, s0;
	s1 =	sshll.u32 s1, $0x11  }
0xbb: {  	s0 =	sor.u32 s1, s0  }
0xbc: {  	s0 =	sadd.s32 $0x8F2B, s0  }
0xbd: {  	[sflag:s0] =	ssyncadd.remote.s32 $0x1  }
0xbe: {  	_ =	sfence.sel $0xFFFF  }
0xbf: {  	[dreg:$0x0] =	wrdreg $0xFFFFFFFF;
	(pc) =	sbr.abs _section_cstart, $3  }
0xc0: {  	[dreg:$0x1] =	wrdreg $0xFFFFFFFF  }
0xc1: {  	_ =	task.clear_ibuf [dreg:s7], $0x2FFFF;
	_ =	strace $0x9FFFFFFF  }
0xc2: {  	(tm) =	ssettm $0x7FFFFFFF  }
0xc3: {  	_ =	shalt  }
tec
execute0_lowered:
.L_overlay_start_1:
0x0: {  	(tag) =	ssettag $0x1  }
0x1: {  	s0 =	rddreg [dreg:$0x0]  }
0x2: {  	s1 =	rddreg [dreg:$0x1]  }
0x3: {  	s2 =	srdreg.scid;
	s9 =	stileid.u32  }
0x4: {  	s3 =	simm.s32 $0x0;
	s28 =	simm.s32 $0x2;
	s16 =	simm.s32 $0x4  }
0x5: {  	s2 =	sand.u32 $0x1, s2;
	s4 =	smul.u32 $0x700000, s9;
	[smem:$0x7FF] =	sst s3  }
0x6: {  	s3 =	sadd.s32 $0xF42E00, s1;
	s6 =	sshll.u32 s9, $0x1;
	s9 =	smul.u32 $0xE0000, s9  }
0x7: {  	s1 =	sadd.s32 $0xA00, s1;
	s5 =	smul.u32 $0x380000, s2;
	_ =	strace $0x80000047  }
0x8: {  	s7 =	ssub.s32 $0x2, s2;
	s6 =	sor.u32 s2, s6;
	s2 =	smul.u32 $0x70000, s2  }
0x9: {  	s17 =	sshrl.u32 s7, $0x1;
	s6 =	smul.u32 $0xC80, s6;
	s22 =	sadd.s32 s9, s1  }
0xa: {  	s4 =	sadd.s32 s5, s4;
	s5 =	ssub.s32 s7, s17;
	s9 =	sadd.s32 s2, s22  }
0xb: {  	s17 =	simm.s32 $0xC8;
	s22 =	simm.s32 $0x80;
	s8 =	sor.u32 $0xC400, s4  }
0xc: {  	s0 =	sadd.s32 s0, s6;
	s19 =	smax.u32 s5, $0x1;
	s20 =	sor.u32 $0xA800, s4  }
0xd: {  	s21 =	sor.u32 $0x8C00, s4;
	s23 =	sor.u32 $0x5400, s4;
	s24 =	sor.u32 $0x1A400, s4  }
0xe: {  	s25 =	sor.u32 $0x18800, s4;
	s29 =	sor.u32 $0x16C00, s4;
	s30 =	sor.u32 $0x13400, s4  }
0xf: {  	s4 =	sor.u32 $0x11800, s4;
	s18 =	sshrl.u32 s8, $0x3;
	[dreg:$0x3] =	wrdreg s0  }
0x10: {  	[dreg:$0x4] =	wrdreg s19;
	s0 =	sshrl.u32 s20, $0x3;
	s5 =	sshrl.u32 s21, $0x3  }
0x11: {  	s2 =	sshrl.u32 s24, $0x3;
	s26 =	sshrl.u32 s25, $0x3;
	s31 =	sshrl.u32 s4, $0x3  }
0x12: {  	s19 =	simm.s32 $0x9600;
	s20 =	simm.s32 $0x1;
	s21 =	simm.s32 $0x40  }
0x13: {  	s24 =	simm.s32 $0x11300;
	s25 =	simm.s32 $0x6;
	s6 =	sadd.s32 s18, s1  }
0x14: {  	s7 =	sadd.s32 s0, s1;
	s8 =	sadd.s32 s5, s1;
	s0 =	sshrl.u32 s23, $0x3  }
.Ltmp0:
0x15: {  	s11 =	sadd.s32 s2, s1;
	s12 =	sadd.s32 s26, s1;
	(pc) =	sbr.rel .LBB2_1-.Ltmp0, $4  }
0x16: {  	s2 =	sshrl.u32 s30, $0x3;
	s15 =	sadd.s32 s31, s1;
	s26 =	simm.s32 $0xC800  }
0x17: {  	s23 =	simm.s32 $0x10680;
	s18 =	simm.s32 $0x11F80;
	s5 =	simm.s32 $0x0  }
0x18: {  	s10 =	sadd.s32 s0, s1;
	s0 =	sshrl.u32 s29, $0x3;
	s14 =	sadd.s32 s2, s1  }
0x19: {  	s13 =	sadd.s32 s0, s1;
	s0 =	simm.s32 $0xFA00;
	s1 =	simm.s32 $0x3  }
.LBB2_4:
0x1a: {  	s2 =	simm.s32 $0x5  }
0x1b: {  	_ =	swait.ge [sflag:s2], $0xC80  }
0x1c: {  	[sflag:s2] =	ssyncset.done $0x0  }
0x1d: {  	[sflag:s2] =	ssyncadd.s32 $0xFFFFF380  }
0x1e: {  	_ =	swait.ge [sflag:s2], $0xC80  }
0x1f: {  	[sflag:s2] =	ssyncset.done $0x0  }
0x20: {  	[sflag:s2] =	ssyncadd.s32 $0xFFFFF380  }
0x21: {  	_ =	swait.ge [sflag:s2], $0xC80  }
0x22: {  	[sflag:s2] =	ssyncset.done $0x0  }
0x23: {  	[sflag:s2] =	ssyncadd.s32 $0xFFFFF380  }
0x24: {  	_ =	swait.ge [sflag:s2], $0xC80  }
0x25: {  	[sflag:s2] =	ssyncset.done $0x0  }
0x26: {  	[sflag:s2] =	ssyncadd.s32 $0xFFFFF380  }
0x27: {  	_ =	swait.ge [sflag:s25], $0xC80  }
0x28: {  	[sflag:s25] =	ssyncset.done $0x0  }
0x29: {  	[sflag:s25] =	ssyncadd.s32 $0xFFFFF380  }
0x2a: {  	_ =	swait.ge [sflag:s25], $0xC80  }
0x2b: {  	[sflag:s25] =	ssyncset.done $0x0  }
0x2c: {  	[sflag:s25] =	ssyncadd.s32 $0xFFFFF380  }
0x2d: {  	_ =	swait.ge [sflag:s25], $0xC80  }
0x2e: {  	[sflag:s25] =	ssyncset.done $0x0  }
0x2f: {  	[sflag:s25] =	ssyncadd.s32 $0xFFFFF380  }
0x30: {  	_ =	swait.ge [sflag:s25], $0xC80  }
0x31: {  	[sflag:s25] =	ssyncset.done $0x0  }
0x32: {  	s30 =	simm.s32 $0x7;
	[sflag:s25] =	ssyncadd.s32 $0xFFFFF380  }
0x33: {  	_ =	swait.ge [sflag:s30], $0xC80  }
0x34: {  	[sflag:s30] =	ssyncset.done $0x0  }
0x35: {  	[sflag:s30] =	ssyncadd.s32 $0xFFFFF380  }
0x36: {  	_ =	swait.ge [sflag:s30], $0xC80  }
0x37: {  	[sflag:s30] =	ssyncset.done $0x0  }
0x38: {  	[sflag:s30] =	ssyncadd.s32 $0xFFFFF380  }
0x39: {  	_ =	swait.ge [sflag:s30], $0xC80  }
0x3a: {  	[sflag:s30] =	ssyncset.done $0x0  }
0x3b: {  	[sflag:s30] =	ssyncadd.s32 $0xFFFFF380  }
0x3c: {  	_ =	swait.ge [sflag:s30], $0xC80  }
0x3d: {  	[sflag:s30] =	ssyncset.done $0x0  }
0x3e: {  	s4 =	simm.s32 $0x8;
	[sflag:s30] =	ssyncadd.s32 $0xFFFFF380  }
0x3f: {  	_ =	swait.ge [sflag:s4], $0xC80  }
0x40: {  	[sflag:s4] =	ssyncset.done $0x0  }
0x41: {  	[sflag:s4] =	ssyncadd.s32 $0xFFFFF380  }
0x42: {  	_ =	swait.ge [sflag:s4], $0xC80  }
0x43: {  	[sflag:s4] =	ssyncset.done $0x0  }
0x44: {  	[sflag:s4] =	ssyncadd.s32 $0xFFFFF380  }
0x45: {  	_ =	swait.ge [sflag:s4], $0xC80  }
0x46: {  	[sflag:s4] =	ssyncset.done $0x0  }
0x47: {  	[sflag:s4] =	ssyncadd.s32 $0xFFFFF380  }
0x48: {  	_ =	swait.ge [sflag:s4], $0xC80  }
0x49: {  	s5 =	rddreg [dreg:$0x5]  }
0x4a: {  	s31 =	rddreg [dreg:$0x4];
	s5 =	sadd.s32 $0x1, s5  }
0x4b: {  	p0 =	sne.s32 s5, s31  }
.Ltmp1:
0x4c: {  	_ = 	snop;
	(pc) =	sbr.rel @!p0 .LBB2_5-.Ltmp1, $3  }
0x4d: {  	_ =	sdelay $0x1  }
0x4e: {  	[sflag:s4] =	ssyncset.done $0x0  }
0x4f: {  	[sflag:s4] =	ssyncadd.s32 $0xFFFFF380  }
.LBB2_1:
0x50: {  	[dreg:$0x5] =	wrdreg s5  }
0x51: {  	s2 =	simm.s32 $0x0;
	s4 =	rddreg [dreg:$0x3];
	s5 =	simm.s32 $0x9  }
0x52: {  	[tilespmem:s2], [sflag:$0x9] =	stream.linear.gather [hbm4b:s4+s2], $0x6400, $0x38;
	[tilespmem:$0x12C00] =	vst v63  }
0x53: {  	_ =	swait.ge [sflag:s5], $0x6400  }
0x54: {  	[sflag:s5] =	ssyncset.done $0x0  }
0x55: {  	s31 =	simm.s32 $0x6400;
	[sflag:s5] =	ssyncadd.s32 $0xFFFF9C00  }
0x56: {  	[tilespmem:s31], [sflag:$0x1] =	stream.indirect.gather [hbm4b:s3+s17], $0x40, s2, s17, $0xb8;
	[tilespmem:$0x12C00] =	vst v63  }
0x57: {  	s29 =	simm.s32 $0x3E8;
	s30 =	simm.s32 $0x0  }
0x58: {  	[tilespmem:s19], [sflag:$0x2] =	stream.indirect.gather [hbm4b:s3+s17], $0x40, s17, s17, $0xb8;
	[tilespmem:$0x12C00] =	vst v63  }
.LBB2_2:
0x59: {  	_ =	swait.ge [sflag:s20], $0x3200  }
0x5a: {  	[sflag:s20] =	ssyncset.done $0x0  }
0x5b: {  	s31 =	sadd.s32 s30, s9;
	s2 =	simm.s32 $0x6400;
	[sflag:s20] =	ssyncadd.s32 $0xFFFFCE00  }
0x5c: {  	[hbm4b:s31+s21] =	stream.strided.scatter [tilespmem:s2], [sflag:$0x5], $0xC80, s22, s21, $0x38;
	[tilespmem:$0x12C00] =	vst v63  }
0x5d: {  	s4 =	simm.s32 $0x7080;
	s5 =	sadd.s32 $0x380, s31  }
0x5e: {  	[hbm4b:s5+s21] =	stream.strided.scatter [tilespmem:s4], [sflag:$0x5], $0xC80, s22, s21, $0x38;
	[tilespmem:$0x12C00] =	vst v63  }
0x5f: {  	p0 =	seq.s32 s30, $0x0;
	s4 =	sadd.s32 $0x700, s31;
	s5 =	simm.s32 $0x7D00  }
0x60: {  	[hbm4b:s4+s21] =	stream.strided.scatter [tilespmem:s5], [sflag:$0x5], $0xC80, s22, s21, $0x38;
	[tilespmem:$0x12C00] =	vst v63  }
0x61: {  	s2 =	simm.s32 @!p0 $0x7;
	s4 =	sadd.s32 s30, s10;
	s5 =	simm.s32 $0x8980  }
0x62: {  	[hbm4b:s4+s21] =	stream.strided.scatter [tilespmem:s5], [sflag:$0x5], $0xC80, s22, s21, $0x38;
	[tilespmem:$0x12C00] =	vst v63  }
0x63: {  	_ =	swait.ge @!p0 [sflag:s2], $0xC80  }
0x64: {  	[sflag:s2] =	ssyncset.done @!p0 $0x0  }
0x65: {  	[sflag:s2] =	ssyncadd.s32 @!p0 $0xFFFFF380  }
0x66: {  	_ =	swait.ge @!p0 [sflag:s2], $0xC80  }
0x67: {  	[sflag:s2] =	ssyncset.done @!p0 $0x0  }
0x68: {  	[sflag:s2] =	ssyncadd.s32 @!p0 $0xFFFFF380  }
0x69: {  	_ =	swait.ge @!p0 [sflag:s2], $0xC80  }
0x6a: {  	[sflag:s2] =	ssyncset.done @!p0 $0x0  }
0x6b: {  	[sflag:s2] =	ssyncadd.s32 @!p0 $0xFFFFF380  }
0x6c: {  	_ =	swait.ge @!p0 [sflag:s2], $0xC80  }
0x6d: {  	[sflag:s2] =	ssyncset.done @!p0 $0x0  }
0x6e: {  	s4 =	sadd.s32 $0xFFFFFDA8, s29;
	[sflag:s2] =	ssyncadd.s32 @!p0 $0xFFFFF380  }
0x6f: {  	[tilespmem:s26], [sflag:$0x3] =	stream.indirect.gather [hbm4b:s3+s17], $0x40, s4, s17, $0xb8;
	[tilespmem:$0x12C00] =	vst v63  }
0x70: {  	_ =	swait.ge [sflag:s28], $0x3200  }
0x71: {  	[sflag:s28] =	ssyncset.done $0x0  }
0x72: {  	s5 =	sadd.s32 $0xE00, s31;
	[sflag:s28] =	ssyncadd.s32 $0xFFFFCE00  }
0x73: {  	[hbm4b:s5+s21] =	stream.strided.scatter [tilespmem:s19], [sflag:$0x6], $0xC80, s22, s21, $0x38;
	[tilespmem:$0x12C00] =	vst v63  }
0x74: {  	s4 =	sadd.s32 s30, s8;
	s5 =	simm.s32 $0xA280  }
0x75: {  	[hbm4b:s4+s21] =	stream.strided.scatter [tilespmem:s5], [sflag:$0x6], $0xC80, s22, s21, $0x38;
	[tilespmem:$0x12C00] =	vst v63  }
0x76: {  	s4 =	sadd.s32 s30, s7;
	s5 =	simm.s32 $0xAF00  }
0x77: {  	[hbm4b:s4+s21] =	stream.strided.scatter [tilespmem:s5], [sflag:$0x6], $0xC80, s22, s21, $0x38;
	[tilespmem:$0x12C00] =	vst v63  }
0x78: {  	s2 =	simm.s32 @!p0 $0x8;
	s4 =	sadd.s32 s30, s6;
	s5 =	simm.s32 $0xBB80  }
0x79: {  	[hbm4b:s4+s21] =	stream.strided.scatter [tilespmem:s5], [sflag:$0x6], $0xC80, s22, s21, $0x38;
	[tilespmem:$0x12C00] =	vst v63  }
0x7a: {  	_ =	swait.ge @!p0 [sflag:s2], $0xC80  }
0x7b: {  	[sflag:s2] =	ssyncset.done @!p0 $0x0  }
0x7c: {  	[sflag:s2] =	ssyncadd.s32 @!p0 $0xFFFFF380  }
0x7d: {  	_ =	swait.ge @!p0 [sflag:s2], $0xC80  }
0x7e: {  	[sflag:s2] =	ssyncset.done @!p0 $0x0  }
0x7f: {  	[sflag:s2] =	ssyncadd.s32 @!p0 $0xFFFFF380  }
0x80: {  	_ =	swait.ge @!p0 [sflag:s2], $0xC80  }
0x81: {  	[sflag:s2] =	ssyncset.done @!p0 $0x0  }
0x82: {  	[sflag:s2] =	ssyncadd.s32 @!p0 $0xFFFFF380  }
0x83: {  	_ =	swait.ge @!p0 [sflag:s2], $0xC80  }
0x84: {  	[sflag:s2] =	ssyncset.done @!p0 $0x0  }
0x85: {  	s4 =	sadd.s32 $0xFFFFFE70, s29;
	[sflag:s2] =	ssyncadd.s32 @!p0 $0xFFFFF380  }
0x86: {  	[tilespmem:s0], [sflag:$0x4] =	stream.indirect.gather [hbm4b:s3+s17], $0x40, s4, s17, $0xb8;
	[tilespmem:$0x12C00] =	vst v63  }
0x87: {  	_ =	swait.ge [sflag:s1], $0x3200  }
0x88: {  	[sflag:s1] =	ssyncset.done $0x0  }
0x89: {  	s5 =	sadd.s32 $0x1C00, s31;
	[sflag:s1] =	ssyncadd.s32 $0xFFFFCE00  }
0x8a: {  	[hbm4b:s5+s21] =	stream.strided.scatter [tilespmem:s26], [sflag:$0x7], $0xC80, s22, s21, $0x38;
	[tilespmem:$0x12C00] =	vst v63  }
0x8b: {  	s4 =	sadd.s32 $0x1F80, s31;
	s5 =	simm.s32 $0xD480  }
0x8c: {  	[hbm4b:s4+s21] =	stream.strided.scatter [tilespmem:s5], [sflag:$0x7], $0xC80, s22, s21, $0x38;
	[tilespmem:$0x12C00] =	vst v63  }
0x8d: {  	p0 =	seq.s32 s30, $0x6C800;
	s4 =	sadd.s32 s30, s15;
	s5 =	simm.s32 $0xE100  }
0x8e: {  	[hbm4b:s4+s21] =	stream.strided.scatter [tilespmem:s5], [sflag:$0x7], $0xC80, s22, s21, $0x38;
	[tilespmem:$0x12C00] =	vst v63  }
0x8f: {  	s2 =	simm.s32 @!p0 $0x5;
	s4 =	sadd.s32 s30, s14;
	s5 =	simm.s32 $0xED80  }
0x90: {  	[hbm4b:s4+s21] =	stream.strided.scatter [tilespmem:s5], [sflag:$0x7], $0xC80, s22, s21, $0x38;
	[tilespmem:$0x12C00] =	vst v63  }
0x91: {  	_ =	swait.ge @!p0 [sflag:s2], $0xC80  }
0x92: {  	[sflag:s2] =	ssyncset.done @!p0 $0x0  }
0x93: {  	[sflag:s2] =	ssyncadd.s32 @!p0 $0xFFFFF380  }
0x94: {  	_ =	swait.ge @!p0 [sflag:s2], $0xC80  }
0x95: {  	[sflag:s2] =	ssyncset.done @!p0 $0x0  }
0x96: {  	[sflag:s2] =	ssyncadd.s32 @!p0 $0xFFFFF380  }
0x97: {  	_ =	swait.ge @!p0 [sflag:s2], $0xC80  }
0x98: {  	[sflag:s2] =	ssyncset.done @!p0 $0x0  }
0x99: {  	[sflag:s2] =	ssyncadd.s32 @!p0 $0xFFFFF380  }
0x9a: {  	_ =	swait.ge @!p0 [sflag:s2], $0xC80  }
0x9b: {  	s4 =	simm.s32 @!p0 $0xC8;
	[sflag:s2] =	ssyncset.done @!p0 $0x0  }
0x9c: {  	s5 =	simm.s32 @!p0 $0x6400;
	[sflag:s2] =	ssyncadd.s32 @!p0 $0xFFFFF380;
	s2 =	sadd.s32 @!p0 $0xFFFFFF38, s29  }
0x9d: {  	[tilespmem:s5], [sflag:$0x1] =	stream.indirect.gather @!p0 [hbm4b:s3+s4], $0x40, s2, s4, $0xb8;
	[tilespmem:$0x12C00] =	vst v63  }
0x9e: {  	_ =	swait.ge [sflag:s16], $0x3200  }
0x9f: {  	[sflag:s16] =	ssyncset.done $0x0  }
0xa0: {  	s31 =	sadd.s32 $0x2A00, s31;
	[sflag:s16] =	ssyncadd.s32 $0xFFFFCE00  }
0xa1: {  	[hbm4b:s31+s21] =	stream.strided.scatter [tilespmem:s0], [sflag:$0x8], $0xC80, s22, s21, $0x38;
	[tilespmem:$0x12C00] =	vst v63  }
0xa2: {  	s4 =	sadd.s32 s30, s13  }
0xa3: {  	[hbm4b:s4+s21] =	stream.strided.scatter [tilespmem:s23], [sflag:$0x8], $0xC80, s22, s21, $0x38;
	[tilespmem:$0x12C00] =	vst v63  }
.Ltmp2:
0xa4: {  	_ = 	snop;
	(pc) =	sbr.rel @p0 .LBB2_4-.Ltmp2, $4  }
0xa5: {  	s5 =	sadd.s32 s30, s12  }
0xa6: {  	[hbm4b:s5+s21] =	stream.strided.scatter [tilespmem:s24], [sflag:$0x8], $0xC80, s22, s21, $0x38;
	[tilespmem:$0x12C00] =	vst v63  }
0xa7: {  	s31 =	sadd.s32 s30, s11  }
0xa8: {  	[hbm4b:s31+s21] =	stream.strided.scatter [tilespmem:s18], [sflag:$0x8], $0xC80, s22, s21, $0x38;
	[tilespmem:$0x12C00] =	vst v63  }
0xa9: {  	_ =	swait.ge [sflag:s25], $0xC80  }
0xaa: {  	[sflag:s25] =	ssyncset.done $0x0  }
0xab: {  	[sflag:s25] =	ssyncadd.s32 $0xFFFFF380  }
0xac: {  	_ =	swait.ge [sflag:s25], $0xC80  }
0xad: {  	[sflag:s25] =	ssyncset.done $0x0  }
0xae: {  	[sflag:s25] =	ssyncadd.s32 $0xFFFFF380  }
0xaf: {  	_ =	swait.ge [sflag:s25], $0xC80  }
0xb0: {  	[sflag:s25] =	ssyncset.done $0x0  }
0xb1: {  	[sflag:s25] =	ssyncadd.s32 $0xFFFFF380  }
.Ltmp3:
0xb2: {  	_ =	swait.ge [sflag:s25], $0xC80;
	(pc) =	sbr.rel .LBB2_2-.Ltmp3, $4  }
0xb3: {  	[sflag:s25] =	ssyncset.done $0x0  }
0xb4: {  	[sflag:s25] =	ssyncadd.s32 $0xFFFFF380  }
0xb5: {  	[tilespmem:s19], [sflag:$0x2] =	stream.indirect.gather [hbm4b:s3+s17], $0x40, s29, s17, $0xb8;
	[tilespmem:$0x12C00] =	vst v63  }
0xb6: {  	s30 =	sadd.s32 $0x3800, s30;
	s29 =	sadd.s32 $0x320, s29  }
.LBB2_5:
0xb7: {  	_ =	sfence.sel $0x180000  }
0xb8: {  	[bflag:$0x0] =	sbarrier.arrive $0xFFFF  }
0xb9: {  	_ =	strace $0x90000047  }
0xba: {  	s0 =	stileid.u32;
	[bflag:$0x2] =	sbarrier.arrive $0xFFFF  }
0xbb: {  	p0 =	sne.s32 s0, $0x0;
	s0 =	rddreg [dreg:$0x2]  }
0xbc: {  	s0 =	sadd.s32 @!p0 $0x100000, s0  }
0xbd: {  	[sflag:s0] =	ssyncadd.tile.s32 @!p0 $0x1;
	_ =	shalt  }
.Lfunc_end2:
_tile_overlayer_lowered:
.L_overlay_start_2:
0xbe: {  	(tag) =	ssettag $0x2  }
0xbf: {  	s0 =	rddreg [dreg:$0x0];
	s2 =	stileid.u32  }
0xc0: {  	s1 =	rddreg [dreg:$0x1];
	p0 =	sne.s32 s2, $0x0  }
0xc1: {  	s3 =	rddreg [dreg:$0x2];
	[bflag:$0x3] =	sbarrier.arrive $0xFFFF;
	s2 =	simm.s32 @!p0 $0x1C09  }
0xc2: {  	[timem:s3], [sflag:s2] =	dma.local @!p0 [hbm:s0], s1  }
0xc3: {  	s0 =	simm.s32 @!p0 $0x9  }
0xc4: {  	_ =	swait.ge @!p0 [sflag:s0], s1  }
0xc5: {  	s1 =	ssub.s32 @!p0 $0x0, s1;
	[sflag:s0] =	ssyncset.done @!p0 $0x0  }
0xc6: {  	[sflag:s0] =	ssyncadd.s32 @!p0 s1  }
0xc7: {  	[bflag:$0x3] =	sbarrier.arrive $0xFFFF  }
0xc8: {  	_ =	shalt  }

// kernel: sparse-core-data-format-call.cloned.1.call-start
scs
called_computation_lowered:
.L_overlay_start_0:
0x0: {  	s2 =	sld [smem:$0x3FD9]  }
0x1: {  	s3 =	sld [smem:$0x3FFE];
	_ =	sdelay $0x1  }
0x2: {  	s1 =	srdreg.scid  }
0x3: {  	s0 =	sand.u32 $0x1, s1  }
0x4: {  	s18 =	sshll.u32 s0, $0xA;
	s2 =	sadd.s32 s3, s2  }
0x5: {  	s2 =	sadd.s32 s2, s18  }
0x6: {  	[smem:$0x3FC6] =	sst s2  }
0x7: {  	_ = 	snop  }
0x8: {  	s2 =	sld [smem:$0x3FD0];
	(tm) =	ssettm $0x1  }
0x9: {  	s19 =	sld [smem:$0x3FFB];
	_ =	sdelay $0x3  }
0xa: {  	_ =	strace s19  }
0xb: {  	s3 =	sld [smem:$0x3FFC];
	_ =	sdelay $0x3  }
0xc: {  	_ =	strace s3  }
0xd: {  	s3 =	sld [smem:$0x3FFD];
	_ =	sdelay $0x3  }
0xe: {  	_ =	strace s3  }
0xf: {  	_ =	strace $0x8FFFFFFF  }
0x10: {  	s20 =	sld [smem:$0x3FDB];
	_ =	sdelay $0x1  }
0x11: {  	s4 =	simm.s32 $_scs_section_size  }
0x12: {  	s5 =	simm.s32 $_size__tile_overlayer_lowered;
	s6 =	simm.s32 $_tile_overlayer_lowered  }
0x13: {  	s23 =	simm.s32 $0x1BFF;
	s22 =	sshll.u32 s6, $0x1;
	s3 =	sadd.s32 s4, s20  }
0x14: {  	s7 =	simm.s32 $0x0;
	s21 =	sshll.u32 s5, $0x1;
	s5 =	sadd.s32 s22, s3  }
0x15: {  	[timem:s7], [sflag:s23] =	dma.local [hbm:s5], s21  }
0x16: {  	_ =	swait.ge [sflag:s23], s21  }
0x17: {  	s4 =	ssub.s32 $0x0, s21;
	[sflag:s23] =	ssyncset.done $0x0  }
0x18: {  	[sflag:s23] =	ssyncadd.s32 s4;
	_ =	sdelay $0x1  }
0x19: {  	s24 =	simm.s32 $0x1B8B  }
0x1a: {  	_ =	swait.ge [sflag:s24], $0x1  }
0x1b: {  	[sflag:s24] =	ssyncset.done $0x0  }
0x1c: {  	s26 =	simm.s32 $0x1B8E;
	s25 =	sld [smem:$0x3FFE];
	[sflag:s24] =	ssyncadd.s32 $0xFFFFFFFF  }
0x1d: {  	s27 =	simm.s32 $execute0_lowered;
	[smem:$0x3FD2] =	sst s26  }
0x1e: {  	s5 =	sshll.u32 s27, $0x1;
	_ =	strace $0x80000049;
	[dreg:$0x1] =	wrdreg $0xFFFFFFFF  }
0x1f: {  	s28 =	simm.s32 $_size_execute0_lowered;
	s3 =	sadd.s32 s3, s5;
	[dreg:$0x0] =	wrdreg $0x0  }
0x20: {  	s5 =	sshll.u32 s28, $0x1;
	[dreg:$0x2] =	wrdreg s3  }
0x21: {  	[dreg:$0x3] =	wrdreg s5  }
0x22: {  	[dreg:$0x4] =	wrdreg $0xC0  }
0x23: {  	_ =	task [dreg:s7], $0x5FFFF  }
0x24: {  	[dreg:$0x1] =	wrdreg $0xFFFFFFFF  }
0x25: {  	[dreg:$0x0] =	wrdreg $0x60  }
0x26: {  	[dreg:$0x2] =	wrdreg s25  }
0x27: {  	[dreg:$0x3] =	wrdreg s2  }
0x28: {  	[dreg:$0x4] =	wrdreg $0x9  }
0x29: {  	_ =	task.clear_ibuf [dreg:s7], $0x5FFFF;
	_ =	strace $0x90000049  }
0x2a: {  	s29 =	simm.s32 $0x9;
	_ =	strace $0x8000004B  }
0x2b: {  	_ =	swait.ge [sflag:s29], $0x1  }
0x2c: {  	[sflag:s29] =	ssyncadd.s32 $0xFFFFFFFF  }
0x2d: {  	_ =	strace $0x9000004B  }
0x2e: {  	_ =	sfence  }
0x2f: {  	s30 =	sld [smem:$0x0];
	_ =	sdelay $0x2  }
0x30: {  	s31 =	sshll.u32 s1, $0xD;
	s1 =	sshrl.u32 s1, $0x2  }
0x31: {  	s3 =	sand.u32 $0x4000, s31;
	s1 =	sadd.s32 s1, s30  }
0x32: {  	s0 =	sor.u32 s3, s0;
	s1 =	sshll.u32 s1, $0x11  }
0x33: {  	s0 =	sor.u32 s1, s0  }
0x34: {  	s0 =	sadd.s32 $0x8F2B, s0  }
0x35: {  	[sflag:s0] =	ssyncadd.remote.s32 $0x1  }
0x36: {  	_ =	sfence.sel $0xFFFF  }
0x37: {  	[dreg:$0x0] =	wrdreg $0xFFFFFFFF;
	(pc) =	sbr.abs _section_cstart, $3  }
0x38: {  	[dreg:$0x1] =	wrdreg $0xFFFFFFFF  }
0x39: {  	_ =	task.clear_ibuf [dreg:s7], $0x2FFFF;
	_ =	strace $0x9FFFFFFF  }
0x3a: {  	(tm) =	ssettm $0x7FFFFFFF  }
0x3b: {  	_ =	shalt  }
tec
execute0_lowered:
.L_overlay_start_1:
0x0: {  	(tag) =	ssettag $0x1  }
0x1: {  	s0 =	srdreg.scid  }
0x2: {  	s1 =	sshll.u32 s0, $0x4  }
0x3: {  	s0 =	stileid.u32;
	s1 =	sand.u32 $0x10, s1  }
0x4: {  	s1 =	sor.u32 s0, s1  }
0x5: {  	s6 =	rddreg [dreg:$0x0];
	s4 =	simm.s32 $0x1;
	s2 =	sshll.u32 s1, $0x7  }
0x6: {  	s7 =	simm.s32 $0x2;
	s12 =	simm.s32 $0x0;
	s1 =	ssub.s32 $0x4000, s2  }
0x7: {  	s8 =	simm.s32 $0x20000;
	s13 =	simm.s32 $0x0;
	s3 =	sand.u32 $0xF80, s1  }
0x8: {  	s9 =	simm.s32 $0x0;
	s5 =	sshrl.u32 s1, $0xC;
	p0 =	sne.s32 s3, $0x0  }
.Ltmp0:
0x9: {  	s1 =	rddreg [dreg:$0x2];
	s4 =	simm.s32 @!p0 $0x0;
	(pc) =	sbr.rel .LBB1_1-.Ltmp0, $4  }
0xa: {  	s11 =	simm.s32 $0x0;
	s3 =	rddreg [dreg:$0x1];
	s5 =	sadd.s32 s4, s5  }
0xb: {  	_ =	strace $0x8000004A;
	s4 =	simm.s32 $0x1;
	s5 =	smul.u32 $0x32, s5  }
0xc: {  	s6 =	sadd.s32 $0xA00, s6;
	s10 =	smov.u32 s2;
	[sflag:s4] =	ssyncpa.u1 $0x0  }
0xd: {  	p0 =	por $0x0, $0x0;
	[sflag:s7] =	ssyncpa.u1 $0x0;
	s7 =	sor.u32 $0x1, s5  }
.LBB1_4:
0xe: {  	s16 =	sshll.u32 s13, $0x3;
	s17 =	sand.u32 $0x78, s13  }
0xf: {  	s30 =	sand.u32 $0x1F800, s13;
	s12 =	sshll.u32 s12, $0x11;
	s16 =	sand.u32 $0x3C00, s16  }
0x10: {  	[tilespmem:s15+$0x810 ss:$0x81] =	vst.msk $0xffff, v2;
	s31 =	sand.u32 $0x7, s13;
	s16 =	sor.u32 s17, s16;
	s17 =	sadd.s32 s3, s30  }
0x11: {  	[tilespmem:s15+$0x1020 ss:$0x81] =	vst.msk $0xffff, v0;
	s13 =	sshll.u32 s31, $0x12;
	s12 =	sadd.s32 s12, s17;
	s16 =	sshrl.u32 s16, $0x3  }
0x12: {  	[tilespmem:s15+$0x0 ss:$0x81] =	vst.msk $0xffff, v1;
	s13 =	sor.u32 $0x400, s13;
	s12 =	sadd.s32 s16, s12  }
0x13: {  	[hbm4b:s12+s13] =	stream.strided.scatter [tilespmem:s14], [sflag:$0x2], $0x2000, s8, s13, $0x20;
	[tilespmem:$0x8080] =	vst v63  }
.LBB1_5:
0x14: {  	s14 =	sadd.s32 $0x1, s9  }
0x15: {  	s12 =	sadd.s32 $0x1000, s10;
	s16 =	smov.u32 s10;
	p2 =	sgt.s32 s14, $0x31  }
0x16: {  	s16 =	smov.u32 @p2 s12  }
0x17: {  	s14 =	simm.s32 @p2 $0x0;
	p2 =	sgt.s32 s16, $0x3FFF  }
0x18: {  	s16 =	smov.u32 @p2 s2;
	p2 =	sne.s32 s11, s7  }
.Ltmp1:
0x19: {  	p1 =	slt.u32 s11, $0x2;
	(pc) =	sbr.rel @!p2 .LBB1_6-.Ltmp1, $4  }
0x1a: {  	s15 =	simm.s32 @!p1 $0x2  }
0x1b: {  	s13 =	smov.u32 s10;
	p0 =	por !p0, !p0;
	_ =	swait.ge @!p1 [sflag:s15], $0x2000  }
0x1c: {  	s12 =	smov.u32 s9;
	[sflag:s15] =	ssyncset.done @!p1 $0x0;
	s9 =	smov.u32 s14  }
0x1d: {  	s11 =	sadd.s32 $0x1, s11;
	[sflag:s15] =	ssyncadd.s32 @!p1 $0xFFFFE000;
	s10 =	smov.u32 s16  }
.LBB1_1:
0x1e: {  	p1 =	sge.u32 s11, s5  }
0x1f: {  	s14 =	sand.u32 @!p1 $0x1FFFFFF, s9  }
0x20: {  	s15 =	smulhi.u32 @!p1 $0x4924925, s14;
	_ =	sdelay $0x1  }
0x21: {  	s15 =	smul.u32 @!p1 $0x38, s15  }
0x22: {  	s16 =	sxor.u32 @!p1 $0xFFFFFFFF, s11;
	s17 =	smul.u32 @!p1 $0x380, s10  }
0x23: {  	s31 =	sadd.s32 $0xFFFFFFFF, s11;
	s16 =	sshll.u32 @!p1 s16, $0xD;
	s14 =	ssub.s32 @!p1 s14, s15  }
0x24: {  	s15 =	sand.u32 @!p1 $0x2000, s16;
	s16 =	sadd.s32 @!p1 s6, s17;
	s14 =	sshll.u32 @!p1 s14, $0x4  }
0x25: {  	s17 =	simm.s32 @!p1 $0x1C00;
	s14 =	sadd.s32 @!p1 s14, s16;
	s16 =	simm.s32 @!p1 $0x40  }
0x26: {  	[tilespmem:s15], [sflag:$0x1] =	stream.strided.gather @!p1 [hbm4b:s14+s16], $0x2000, s17, s16, $0x38;
	[tilespmem:$0x8080] =	vst v63  }
0x27: {  	p1 =	sge.u32 s31, s5  }
.Ltmp2:
0x28: {  	_ = 	snop;
	(pc) =	sbr.rel @p1 .LBB1_5-.Ltmp2, $1  }
0x29: {  	_ =	sdelay $0x3  }
0x2a: {  	s14 =	simm.s32 $0x1  }
0x2b: {  	_ =	swait.ge [sflag:s4], $0x2000;
	s14 =	simm.s32 @!p0 $0x0  }
0x2c: {  	[sflag:s4] =	ssyncset.done $0x0;
	s15 =	sshll.u32 s14, $0xD  }
0x2d: {  	[sflag:s4] =	ssyncadd.s32 $0xFFFFE000;
	s18 =	sor.u32 $0x20, s15  }
0x2e: {  	s14 =	smul.u32 $0x8100, s14;
	v3 =	vld [tilespmem:s18+$0x10]  }
0x2f: {  	s30 =	sand.u32 $0x1, s11;
	v2 =	vld [tilespmem:s18+$0xFFFFFFF0]  }
0x30: {  	s15 =	smul.u32 $0x8100, s30;
	s14 =	sshrl.u32 s14, $0x2;
	v0 =	vld [tilespmem:s18+$0x0]  }
0x31: {  	v1 =	vld [tilespmem:s18+$0xFFFFFFE0];
	s16 =	sor.u32 $0x4000, s14  }
0x32: {  	s31 =	sshrl.u32 s15, $0x2;
	s15 =	sadd.s32 $0x0, s16  }
0x33: {  	s17 =	simm.s32 $0x4;
	s18 =	sadd.s32 $0x40, s18;
	s14 =	sor.u32 $0x4000, s31;
	[tilespmem:s15+$0x1830 ss:$0x81] =	vst.msk $0xffff, v3  }
.LBB1_3:
0x34: {  	v3 =	vld [tilespmem:s18+$0x10];
	p1 =	sne.s32 s17, $0x1FC;
	[tilespmem:s15+$0x810 ss:$0x81] =	vst.msk $0xffff, v2;
	s19 =	smov.u32 s17;
	s17 =	sadd.s32 $0x4, s17  }
.Ltmp3:
0x35: {  	v2 =	vld [tilespmem:s18+$0xFFFFFFF0];
	[tilespmem:s15+$0x1020 ss:$0x81] =	vst.msk $0xffff, v0;
	(pc) =	sbr.rel @p1 .LBB1_3-.Ltmp3, $4  }
0x36: {  	v0 =	vld [tilespmem:s18+$0x0];
	[tilespmem:s15+$0x0 ss:$0x81] =	vst.msk $0xffff, v1  }
0x37: {  	s15 =	sshra.s32 s19, $0x2;
	v1 =	vld [tilespmem:s18+$0xFFFFFFE0]  }
0x38: {  	s15 =	sadd.s32 s15, s16  }
0x39: {  	s18 =	sadd.s32 $0x40, s18;
	[tilespmem:s15+$0x1830 ss:$0x81] =	vst.msk $0xffff, v3  }
.Ltmp4:
0x3a: {  	_ = 	snop;
	(pc) =	sbr.rel .LBB1_4-.Ltmp4, $1  }
0x3b: {  	_ =	sdelay $0x3  }
.LBB1_6:
0x3c: {  	_ =	sfence.sel $0x180000  }
0x3d: {  	s2 =	simm.s32 $0x1;
	[bflag:$0x0] =	sbarrier.arrive $0xFFFF  }
0x3e: {  	s31 =	simm.s32 $0x2;
	[sflag:s2] =	ssyncpa.u1 $0x1  }
0x3f: {  	[sflag:s31] =	ssyncpa.u1 $0x1  }
0x40: {  	p0 =	sne.s32 s0, $0x0;
	_ =	strace $0x9000004A  }
0x41: {  	s0 =	sadd.s32 @!p0 $0x100000, s1;
	[bflag:$0x2] =	sbarrier.arrive $0xFFFF  }
0x42: {  	[sflag:s0] =	ssyncadd.tile.s32 @!p0 $0x1;
	_ =	shalt  }
.Lfunc_end1:
_tile_overlayer_lowered:
.L_overlay_start_2:
0x43: {  	(tag) =	ssettag $0x2  }
0x44: {  	s0 =	rddreg [dreg:$0x0];
	s2 =	stileid.u32  }
0x45: {  	s1 =	rddreg [dreg:$0x1];
	p0 =	sne.s32 s2, $0x0  }
0x46: {  	s3 =	rddreg [dreg:$0x2];
	[bflag:$0x3] =	sbarrier.arrive $0xFFFF;
	s2 =	simm.s32 @!p0 $0x1C01  }
0x47: {  	[timem:s3], [sflag:s2] =	dma.local @!p0 [hbm:s0], s1  }
0x48: {  	s0 =	simm.s32 @!p0 $0x1  }
0x49: {  	_ =	swait.ge @!p0 [sflag:s0], s1  }
0x4a: {  	s1 =	ssub.s32 @!p0 $0x0, s1;
	[sflag:s0] =	ssyncset.done @!p0 $0x0  }
0x4b: {  	[sflag:s0] =	ssyncadd.s32 @!p0 s1  }
0x4c: {  	[bflag:$0x3] =	sbarrier.arrive $0xFFFF  }
0x4d: {  	_ =	shalt  }

</sc_bundles>
